<compile_context>
chip_gen: v7x
topology: tpu7x:2x2x1
jax: 0.10.2.dev20260603
libtpu: 0.0.44.dev20260713+nightly
codegen_flags: <defaults>
</compile_context>

<pallas_src>
import functools

import jax
import jax.numpy as jnp
import numpy as np
from jax import lax
from jax.experimental import pallas as pl
from jax.experimental.pallas import tpu as pltpu
from jax.experimental.pallas import tpu_sc as plsc

_GROUP_SIZE = 4
_NC = 2
_NS = 16

_BATCH, _STREAMS, _CH, _T = 32, 4, 2, 44100
_ROWS = _BATCH * _STREAMS
_CW = 11008
_CWT = _T - 3 * _CW
_CHUNKS = ((0, _CW), (_CW, _CW), (2 * _CW, _CW), (3 * _CW, _CWT))
_NBUF = 4

_PERM = (
    (1, 1, 1, 0, 0, 0, 2, 1, 2, 2, 3, 3, 3, 3, 0, 2),
    (1, 1, 1, 2, 2, 0, 0, 3, 3, 2, 2, 1, 0, 3, 3, 0),
    (0, 3, 1, 1, 2, 1, 2, 0, 3, 2, 0, 2, 1, 0, 3, 3),
    (3, 3, 0, 3, 2, 0, 2, 0, 1, 2, 1, 1, 0, 1, 3, 2),
    (0, 0, 2, 0, 3, 3, 3, 1, 1, 2, 1, 3, 2, 1, 0, 2),
    (1, 1, 1, 2, 3, 3, 3, 0, 0, 2, 2, 1, 2, 0, 0, 3),
    (3, 3, 1, 1, 0, 0, 2, 2, 1, 1, 0, 0, 2, 2, 3, 3),
    (0, 3, 2, 0, 2, 2, 0, 1, 1, 1, 3, 2, 3, 0, 1, 3),
)


def _build_index_table() -> np.ndarray:
    perm = np.asarray(_PERM, np.int64).reshape(8, 4, 4)
    perm_flat = perm.reshape(_BATCH, _STREAMS)
    b = np.arange(_BATCH)
    g = b // _GROUP_SIZE
    src_b = g[:, None] * _GROUP_SIZE + perm_flat
    s = np.arange(_STREAMS)
    src_row = src_b * _STREAMS + s[None, :]
    table = np.concatenate(
        [src_row, np.zeros((_BATCH, 4), np.int64),
         src_row, np.zeros((_BATCH, 4), np.int64)], axis=1)
    return table.astype(np.int32)


_IDX_TABLE = _build_index_table()


def _sc_body(stem3, idx_all, stem_out,
             idx_v, buf0, buf1, buf2, buf3,
             sem_in0, sem_in1, sem_in2, sem_in3,
             sem_out0, sem_out1, sem_out2, sem_out3):
    wid = lax.axis_index("s") * _NC + lax.axis_index("c")
    pltpu.sync_copy(idx_all.at[wid], idx_v)

    lanes = lax.iota(jnp.int32, 16)
    zeros16 = jnp.zeros((16,), jnp.int32)
    tabv = idx_v[...]

    def table_at(col):
        return jnp.max(jnp.where(lanes == col, tabv, zeros16))

    srcs = [table_at(j) for j in range(_STREAMS)]
    dsts = [(stem_out, wid * _STREAMS + j) for j in range(_STREAMS)]
    plan = [(r, d, c) for r, d in zip(srcs, dsts) for c in _CHUNKS]

    bufs = [buf0, buf1, buf2, buf3]
    sins = [sem_in0, sem_in1, sem_in2, sem_in3]
    souts = [sem_out0, sem_out1, sem_out2, sem_out3]

    def start_gather(j):
        k = j % _NBUF
        src, _, (c, w) = plan[j]
        return pltpu.async_copy(
            stem3.at[src, :, pl.ds(c, w)], bufs[k].at[:, pl.ds(0, w)],
            sins[k])

    def start_scatter(j):
        k = j % _NBUF
        _, (ref, row), (c, w) = plan[j]
        return pltpu.async_copy(
            bufs[k].at[:, pl.ds(0, w)], ref.at[row, :, pl.ds(c, w)],
            souts[k])

    n = len(plan)
    h_in = [None] * n
    h_out = [None] * n
    for j in range(_NBUF):
        h_in[j] = start_gather(j)
    for j in range(n):
        h_in[j].wait()
        h_out[j] = start_scatter(j)
        if j + _NBUF < n:
            h_out[j].wait()
            h_in[j + _NBUF] = start_gather(j + _NBUF)
    for j in range(n - _NBUF, n):
        h_out[j].wait()


@jax.jit
def _sc_call(stem3, idx_all):
    mesh = plsc.VectorSubcoreMesh(core_axis_name="c", subcore_axis_name="s",
                                  num_cores=_NC, num_subcores=_NS)
    return pl.kernel(
        _sc_body,
        out_type=jax.ShapeDtypeStruct((_ROWS, _CH, _T), jnp.float32),
        mesh=mesh,
        scratch_types=[
            pltpu.VMEM((16,), jnp.int32),
            pltpu.VMEM((_CH, _CWT), jnp.float32),
            pltpu.VMEM((_CH, _CWT), jnp.float32),
            pltpu.VMEM((_CH, _CWT), jnp.float32),
            pltpu.VMEM((_CH, _CWT), jnp.float32),
            pltpu.SemaphoreType.DMA,
            pltpu.SemaphoreType.DMA,
            pltpu.SemaphoreType.DMA,
            pltpu.SemaphoreType.DMA,
            pltpu.SemaphoreType.DMA,
            pltpu.SemaphoreType.DMA,
            pltpu.SemaphoreType.DMA,
            pltpu.SemaphoreType.DMA,
        ],
        compiler_params=pltpu.CompilerParams(needs_layout_passes=False),
    )(stem3, idx_all)


def _tc_sel_body(tab_ref, oh_ref, src, out_ref):
    del tab_ref, oh_ref
    out_ref[...] = src[...]


def _sel_src_map(b, tab, oh):
    w0, w1, w2, w3 = oh[b, 0], oh[b, 1], oh[b, 2], oh[b, 3]
    p = jnp.where(w1 > w0, 1, 0)
    m = jnp.maximum(w0, w1)
    p = jnp.where(w2 > m, 2, p)
    m = jnp.maximum(m, w2)
    p = jnp.where(w3 > m, 3, p)
    return tab[b, p], 0, 0


@jax.jit
def _tc_sel_call(stem3, one_hot, tab):
    grid_spec = pltpu.PrefetchScalarGridSpec(
        num_scalar_prefetch=2,
        grid=(_BATCH,),
        in_specs=[pl.BlockSpec((1, _CH, _T), _sel_src_map)],
        out_specs=pl.BlockSpec((1, _CH, _T), lambda b, tab, oh: (b, 0, 0)),
    )
    return pl.pallas_call(
        _tc_sel_body,
        grid_spec=grid_spec,
        out_shape=jax.ShapeDtypeStruct((_BATCH, _CH, _T), jnp.float32),
    )(tab, one_hot, stem3)


def kernel(selected_stem, one_hot_vector, stem_data):
    del selected_stem
    stem3 = stem_data.reshape(_ROWS, _CH, _T)
    idx_all = jnp.asarray(_IDX_TABLE)
    tab = jnp.asarray(_IDX_TABLE[:, :_STREAMS])
    stem_out3 = _sc_call(stem3, idx_all)
    selected = _tc_sel_call(stem3, one_hot_vector, tab)
    stem_out = stem_out3.reshape(_BATCH, _STREAMS, _CH, _T)
    return (selected, one_hot_vector, stem_out)

# --- scband reference (transcript-rebuilt; emitter-appended) ---
"""Pipeline reference for scband-remix-9448928051444 (READ-ONLY COPY).

The authoritative reference and input builder live on the scoring server;
editing this copy changes nothing except your own understanding.
"""

import jax, jax.numpy as jnp
import numpy as np

GROUP_SIZE = 4

def setup_inputs(seed: int = 0) -> dict:
    key = jax.random.key(seed)
    k1, k2, k3 = jax.random.split(key, 3)
    selected_stem = jax.random.normal(k1, (32, 2, 44100), dtype=jnp.float32)
    one_hot_vector = jax.random.normal(k2, (32, 4), dtype=jnp.float32)
    stem_data = jax.random.normal(k3, (32, 4, 2, 44100), dtype=jnp.float32)
    return {"selected_stem": selected_stem, "one_hot_vector": one_hot_vector, "stem_data": stem_data}

def reference(selected_stem, one_hot_vector, stem_data):
    # Remix.forward with proba=1 in training mode: always shuffle stems within groups.
    batch, streams, channels, time = stem_data.shape
    group_size = GROUP_SIZE
    groups = batch // group_size
    wav = stem_data.reshape(groups, group_size, streams, channels, time)
    # th.argsort(th.rand(groups, group_size, streams, 1, 1), dim=1) -> random permutations per (group, stream)
    perm_key = jax.random.key(42)
    r = jax.random.uniform(perm_key, (groups, group_size, streams, 1, 1))
    permutations = jnp.argsort(r, axis=1)
    perm_exp = jnp.broadcast_to(permutations, (groups, group_size, streams, channels, time))
    wav = jnp.take_along_axis(wav, perm_exp, axis=1)
    stem_out = wav.reshape(batch, streams, channels, time)
    # stem_indices = one_hot_vector.argmax(-1).view(-1,1,1,1); gather along stream dim
    stem_indices = jnp.argmax(one_hot_vector, axis=-1).reshape(batch, 1, 1, 1)
    idx_exp = jnp.broadcast_to(stem_indices, (batch, 1, channels, time))
    selected = jnp.take_along_axis(stem_out, idx_exp, axis=1).squeeze(1)
    return (selected, one_hot_vector, stem_out)

if __name__ == "__main__":
    import jax
    _d = setup_inputs()
    print(jax.jit(kernel)(*tuple(_d.values())))

</pallas_src>

<mosaic_0001>
#map = affine_map<(d0, d1) -> (0, 0, 0)>
#map1 = affine_map<(d0, d1) -> (0, 0)>
module attributes {stable_mosaic.version = 14 : i64} {
  func.func @_sc_body(%arg0: i32, %arg1: i32, %arg2: memref<128x2x44100xf32, #tpu.memory_space<hbm>>, %arg3: memref<32x16xi32, #tpu.memory_space<hbm>>, %arg4: memref<128x2x44100xf32, #tpu.memory_space<hbm>>, %arg5: memref<16xi32, #tpu.memory_space<vmem>>, %arg6: memref<2x11076xf32, #tpu.memory_space<vmem>>, %arg7: memref<2x11076xf32, #tpu.memory_space<vmem>>, %arg8: memref<2x11076xf32, #tpu.memory_space<vmem>>, %arg9: memref<2x11076xf32, #tpu.memory_space<vmem>>, %arg10: memref<!tpu.dma_semaphore, #tpu.memory_space<semaphore_mem>>, %arg11: memref<!tpu.dma_semaphore, #tpu.memory_space<semaphore_mem>>, %arg12: memref<!tpu.dma_semaphore, #tpu.memory_space<semaphore_mem>>, %arg13: memref<!tpu.dma_semaphore, #tpu.memory_space<semaphore_mem>>, %arg14: memref<!tpu.dma_semaphore, #tpu.memory_space<semaphore_mem>>, %arg15: memref<!tpu.dma_semaphore, #tpu.memory_space<semaphore_mem>>, %arg16: memref<!tpu.dma_semaphore, #tpu.memory_space<semaphore_mem>>, %arg17: memref<!tpu.dma_semaphore, #tpu.memory_space<semaphore_mem>>) attributes {dimension_semantics = [#tpu.dimension_semantics<core_parallel>, #tpu.dimension_semantics<subcore_parallel>], iteration_bounds = array<i64: 2, 16>, scalar_prefetch = 0 : i64, scratch_operands = 13 : i64, tpu.core_type = #tpu.core_type<sc_vector_subcore>, window_params = [{transform_indices = #map}, {transform_indices = #map1}, {transform_indices = #map}]} {
    %mul3A = arith.constant 2 : i32
    %mul3A_0 = arith.muli %arg1, %mul3A : i32
    %add3A = arith.addi %mul3A_0, %arg0 : i32
    "tpu.region"() ({
      %run_scoped3A = tpu.sem_alloc : memref<!tpu.dma_semaphore, #tpu.memory_space<semaphore_mem>>
      %dma_start3A_958 = arith.constant 0 : i32
      %dma_start3A_959 = tpu.memref_slice %arg3[%add3A, %dma_start3A_958] : memref<32x16xi32, #tpu.memory_space<hbm>> -> memref<1x16xi32, #tpu.memory_space<hbm>>
      %dma_start3A_960 = tpu.memref_squeeze %dma_start3A_959 : memref<1x16xi32, #tpu.memory_space<hbm>> -> memref<16xi32, #tpu.memory_space<hbm>>
      %dma_start3A_961 = arith.constant 0 : i32
      %dma_start3A_962 = tpu.memref_slice %arg3[%add3A, %dma_start3A_961] : memref<32x16xi32, #tpu.memory_space<hbm>> -> memref<1x16xi32, #tpu.memory_space<hbm>>
      %dma_start3A_963 = tpu.memref_squeeze %dma_start3A_962 : memref<1x16xi32, #tpu.memory_space<hbm>> -> memref<16xi32, #tpu.memory_space<hbm>>
      tpu.enqueue_dma source(%dma_start3A_963 : memref<16xi32, #tpu.memory_space<hbm>>) target(%arg5 : memref<16xi32, #tpu.memory_space<vmem>>) target_semaphore(%run_scoped3A : memref<!tpu.dma_semaphore, #tpu.memory_space<semaphore_mem>>)
      %dma_wait3A_964 = arith.constant 0 : i32
      %dma_wait3A_965 = tpu.memref_slice %arg3[%add3A, %dma_wait3A_964] : memref<32x16xi32, #tpu.memory_space<hbm>> -> memref<1x16xi32, #tpu.memory_space<hbm>>
      %dma_wait3A_966 = tpu.memref_squeeze %dma_wait3A_965 : memref<1x16xi32, #tpu.memory_space<hbm>> -> memref<16xi32, #tpu.memory_space<hbm>>
      %dma_wait3A_967 = arith.constant 0 : i32
      %dma_wait3A_968 = tpu.memref_slice %arg3[%add3A, %dma_wait3A_967] : memref<32x16xi32, #tpu.memory_space<hbm>> -> memref<1x16xi32, #tpu.memory_space<hbm>>
      %dma_wait3A_969 = tpu.memref_squeeze %dma_wait3A_968 : memref<1x16xi32, #tpu.memory_space<hbm>> -> memref<16xi32, #tpu.memory_space<hbm>>
      tpu.wait_dma2 semaphore(%run_scoped3A : memref<!tpu.dma_semaphore, #tpu.memory_space<semaphore_mem>>) src(%dma_wait3A_969 : memref<16xi32, #tpu.memory_space<hbm>>) dst(%arg5 : memref<16xi32, #tpu.memory_space<vmem>>)
      tpu.yield
    }) : () -> ()
    %iota3A = tpu.iota {dimensions = array<i32: 0>} : vector<16xi32>
    %broadcast_in_dim3A = arith.constant 0 : i32
    %broadcast_in_dim3A_1 = vector.broadcast %broadcast_in_dim3A : i32 to vector<16xi32>
    %get3A = arith.constant 0 : index
    %get3A_2 = tpu.vector_load %arg5[%get3A] {strides = array<i32>} : memref<16xi32, #tpu.memory_space<vmem>>, vector<16xi32>,
    %eq3A = arith.constant 0 : i32
    %eq3A_3 = vector.broadcast %eq3A : i32 to vector<16xi32>
    %eq3A_4 = arith.cmpi eq, %iota3A, %eq3A_3 : vector<16xi32>
    %select_n3A = arith.select %eq3A_4, %get3A_2, %broadcast_in_dim3A_1 : vector<16xi1>, vector<16xi32>
    %reduce_max3A = arith.constant true
    %reduce_max3A_5 = vector.broadcast %reduce_max3A : i1 to vector<16xi1>
    %reduce_max3A_6 = arith.constant -2147483648 : i32
    %reduce_max3A_7 = vector.broadcast %reduce_max3A_6 : i32 to vector<16xi32>
    %reduce_max3A_8 = arith.xori %select_n3A, %reduce_max3A_7 : vector<16xi32>
    %reduce_max3A_9 = tpu.scan <max>, %reduce_max3A_8 masked %reduce_max3A_5 : vector<16xi32>, vector<16xi1> -> vector<16xi32>
    %reduce_max3A_10 = arith.xori %reduce_max3A_9, %reduce_max3A_7 : vector<16xi32>
    %reduce_max3A_11 = vector.extract %reduce_max3A_10[15] : i32 from vector<16xi32>
    %eq3A_12 = arith.constant 1 : i32
    %eq3A_13 = vector.broadcast %eq3A_12 : i32 to vector<16xi32>
    %eq3A_14 = arith.cmpi eq, %iota3A, %eq3A_13 : vector<16xi32>
    %select_n3A_15 = arith.select %eq3A_14, %get3A_2, %broadcast_in_dim3A_1 : vector<16xi1>, vector<16xi32>
    %reduce_max3A_16 = arith.constant true
    %reduce_max3A_17 = vector.broadcast %reduce_max3A_16 : i1 to vector<16xi1>
    %reduce_max3A_18 = arith.constant -2147483648 : i32
    %reduce_max3A_19 = vector.broadcast %reduce_max3A_18 : i32 to vector<16xi32>
    %reduce_max3A_20 = arith.xori %select_n3A_15, %reduce_max3A_19 : vector<16xi32>
    %reduce_max3A_21 = tpu.scan <max>, %reduce_max3A_20 masked %reduce_max3A_17 : vector<16xi32>, vector<16xi1> -> vector<16xi32>
    %reduce_max3A_22 = arith.xori %reduce_max3A_21, %reduce_max3A_19 : vector<16xi32>
    %reduce_max3A_23 = vector.extract %reduce_max3A_22[15] : i32 from vector<16xi32>
    %eq3A_24 = arith.constant 2 : i32
    %eq3A_25 = vector.broadcast %eq3A_24 : i32 to vector<16xi32>
    %eq3A_26 = arith.cmpi eq, %iota3A, %eq3A_25 : vector<16xi32>
    %select_n3A_27 = arith.select %eq3A_26, %get3A_2, %broadcast_in_dim3A_1 : vector<16xi1>, vector<16xi32>
    %reduce_max3A_28 = arith.constant true
    %reduce_max3A_29 = vector.broadcast %reduce_max3A_28 : i1 to vector<16xi1>
    %reduce_max3A_30 = arith.constant -2147483648 : i32
    %reduce_max3A_31 = vector.broadcast %reduce_max3A_30 : i32 to vector<16xi32>
    %reduce_max3A_32 = arith.xori %select_n3A_27, %reduce_max3A_31 : vector<16xi32>
    %reduce_max3A_33 = tpu.scan <max>, %reduce_max3A_32 masked %reduce_max3A_29 : vector<16xi32>, vector<16xi1> -> vector<16xi32>
    %reduce_max3A_34 = arith.xori %reduce_max3A_33, %reduce_max3A_31 : vector<16xi32>
    %reduce_max3A_35 = vector.extract %reduce_max3A_34[15] : i32 from vector<16xi32>
    %eq3A_36 = arith.constant 3 : i32
    %eq3A_37 = vector.broadcast %eq3A_36 : i32 to vector<16xi32>
    %eq3A_38 = arith.cmpi eq, %iota3A, %eq3A_37 : vector<16xi32>
    %select_n3A_39 = arith.select %eq3A_38, %get3A_2, %broadcast_in_dim3A_1 : vector<16xi1>, vector<16xi32>
    %reduce_max3A_40 = arith.constant true
    %reduce_max3A_41 = vector.broadcast %reduce_max3A_40 : i1 to vector<16xi1>
    %reduce_max3A_42 = arith.constant -2147483648 : i32
    %reduce_max3A_43 = vector.broadcast %reduce_max3A_42 : i32 to vector<16xi32>
    %reduce_max3A_44 = arith.xori %select_n3A_39, %reduce_max3A_43 : vector<16xi32>
    %reduce_max3A_45 = tpu.scan <max>, %reduce_max3A_44 masked %reduce_max3A_41 : vector<16xi32>, vector<16xi1> -> vector<16xi32>
    %reduce_max3A_46 = arith.xori %reduce_max3A_45, %reduce_max3A_43 : vector<16xi32>
    %reduce_max3A_47 = vector.extract %reduce_max3A_46[15] : i32 from vector<16xi32>
    %mul3A_48 = arith.constant 4 : i32
    %mul3A_49 = arith.muli %add3A, %mul3A_48 : i32
    %add3A_50 = arith.constant 0 : i32
    %add3A_51 = arith.addi %mul3A_49, %add3A_50 : i32
    %mul3A_52 = arith.constant 4 : i32
    %mul3A_53 = arith.muli %add3A, %mul3A_52 : i32
    %add3A_54 = arith.constant 1 : i32
    %add3A_55 = arith.addi %mul3A_53, %add3A_54 : i32
    %mul3A_56 = arith.constant 4 : i32
    %mul3A_57 = arith.muli %add3A, %mul3A_56 : i32
    %add3A_58 = arith.constant 2 : i32
    %add3A_59 = arith.addi %mul3A_57, %add3A_58 : i32
    %mul3A_60 = arith.constant 4 : i32
    %mul3A_61 = arith.muli %add3A, %mul3A_60 : i32
    %add3A_62 = arith.constant 3 : i32
    %add3A_63 = arith.addi %mul3A_61, %add3A_62 : i32
    %dma_start3A = arith.constant 0 : i32
    %dma_start3A_64 = arith.constant 0 : i32
    %dma_start3A_65 = tpu.memref_slice %arg6[%dma_start3A, %dma_start3A_64] : memref<2x11076xf32, #tpu.memory_space<vmem>> -> memref<2x11008xf32, #tpu.memory_space<vmem>>
    %dma_start3A_66 = arith.constant 0 : i32
    %dma_start3A_67 = arith.constant 0 : i32
    %dma_start3A_68 = tpu.memref_slice %arg2[%reduce_max3A_11, %dma_start3A_66, %dma_start3A_67] : memref<128x2x44100xf32, #tpu.memory_space<hbm>> -> memref<1x2x11008xf32, #tpu.memory_space<hbm>>
    %dma_start3A_69 = tpu.memref_squeeze %dma_start3A_68 : memref<1x2x11008xf32, #tpu.memory_space<hbm>> -> memref<2x11008xf32, #tpu.memory_space<hbm>>
    %dma_start3A_70 = arith.constant 0 : i32
    %dma_start3A_71 = arith.constant 0 : i32
    %dma_start3A_72 = tpu.memref_slice %arg6[%dma_start3A_70, %dma_start3A_71] : memref<2x11076xf32, #tpu.memory_space<vmem>> -> memref<2x11008xf32, #tpu.memory_space<vmem>>
    %dma_start3A_73 = arith.constant 0 : i32
    %dma_start3A_74 = arith.constant 0 : i32
    %dma_start3A_75 = tpu.memref_slice %arg2[%reduce_max3A_11, %dma_start3A_73, %dma_start3A_74] : memref<128x2x44100xf32, #tpu.memory_space<hbm>> -> memref<1x2x11008xf32, #tpu.memory_space<hbm>>
    %dma_start3A_76 = tpu.memref_squeeze %dma_start3A_75 : memref<1x2x11008xf32, #tpu.memory_space<hbm>> -> memref<2x11008xf32, #tpu.memory_space<hbm>>
    tpu.enqueue_dma source(%dma_start3A_76 : memref<2x11008xf32, #tpu.memory_space<hbm>>) target(%dma_start3A_72 : memref<2x11008xf32, #tpu.memory_space<vmem>>) target_semaphore(%arg10 : memref<!tpu.dma_semaphore, #tpu.memory_space<semaphore_mem>>)
    %dma_start3A_77 = arith.constant 0 : i32
    %dma_start3A_78 = arith.constant 0 : i32
    %dma_start3A_79 = tpu.memref_slice %arg7[%dma_start3A_77, %dma_start3A_78] : memref<2x11076xf32, #tpu.memory_space<vmem>> -> memref<2x11008xf32, #tpu.memory_space<vmem>>
    %dma_start3A_80 = arith.constant 0 : i32
    %dma_start3A_81 = arith.constant 11008 : i32
    %dma_start3A_82 = tpu.memref_slice %arg2[%reduce_max3A_11, %dma_start3A_80, %dma_start3A_81] : memref<128x2x44100xf32, #tpu.memory_space<hbm>> -> memref<1x2x11008xf32, #tpu.memory_space<hbm>>
    %dma_start3A_83 = tpu.memref_squeeze %dma_start3A_82 : memref<1x2x11008xf32, #tpu.memory_space<hbm>> -> memref<2x11008xf32, #tpu.memory_space<hbm>>
    %dma_start3A_84 = arith.constant 0 : i32
    %dma_start3A_85 = arith.constant 0 : i32
    %dma_start3A_86 = tpu.memref_slice %arg7[%dma_start3A_84, %dma_start3A_85] : memref<2x11076xf32, #tpu.memory_space<vmem>> -> memref<2x11008xf32, #tpu.memory_space<vmem>>
    %dma_start3A_87 = arith.constant 0 : i32
    %dma_start3A_88 = arith.constant 11008 : i32
    %dma_start3A_89 = tpu.memref_slice %arg2[%reduce_max3A_11, %dma_start3A_87, %dma_start3A_88] : memref<128x2x44100xf32, #tpu.memory_space<hbm>> -> memref<1x2x11008xf32, #tpu.memory_space<hbm>>
    %dma_start3A_90 = tpu.memref_squeeze %dma_start3A_89 : memref<1x2x11008xf32, #tpu.memory_space<hbm>> -> memref<2x11008xf32, #tpu.memory_space<hbm>>
    tpu.enqueue_dma source(%dma_start3A_90 : memref<2x11008xf32, #tpu.memory_space<hbm>>) target(%dma_start3A_86 : memref<2x11008xf32, #tpu.memory_space<vmem>>) target_semaphore(%arg11 : memref<!tpu.dma_semaphore, #tpu.memory_space<semaphore_mem>>)
    %dma_start3A_91 = arith.constant 0 : i32
    %dma_start3A_92 = arith.constant 0 : i32
    %dma_start3A_93 = tpu.memref_slice %arg8[%dma_start3A_91, %dma_start3A_92] : memref<2x11076xf32, #tpu.memory_space<vmem>> -> memref<2x11008xf32, #tpu.memory_space<vmem>>
    %dma_start3A_94 = arith.constant 0 : i32
    %dma_start3A_95 = arith.constant 22016 : i32
    %dma_start3A_96 = tpu.memref_slice %arg2[%reduce_max3A_11, %dma_start3A_94, %dma_start3A_95] : memref<128x2x44100xf32, #tpu.memory_space<hbm>> -> memref<1x2x11008xf32, #tpu.memory_space<hbm>>
    %dma_start3A_97 = tpu.memref_squeeze %dma_start3A_96 : memref<1x2x11008xf32, #tpu.memory_space<hbm>> -> memref<2x11008xf32, #tpu.memory_space<hbm>>
    %dma_start3A_98 = arith.constant 0 : i32
    %dma_start3A_99 = arith.constant 0 : i32
    %dma_start3A_100 = tpu.memref_slice %arg8[%dma_start3A_98, %dma_start3A_99] : memref<2x11076xf32, #tpu.memory_space<vmem>> -> memref<2x11008xf32, #tpu.memory_space<vmem>>
    %dma_start3A_101 = arith.constant 0 : i32
    %dma_start3A_102 = arith.constant 22016 : i32
    %dma_start3A_103 = tpu.memref_slice %arg2[%reduce_max3A_11, %dma_start3A_101, %dma_start3A_102] : memref<128x2x44100xf32, #tpu.memory_space<hbm>> -> memref<1x2x11008xf32, #tpu.memory_space<hbm>>
    %dma_start3A_104 = tpu.memref_squeeze %dma_start3A_103 : memref<1x2x11008xf32, #tpu.memory_space<hbm>> -> memref<2x11008xf32, #tpu.memory_space<hbm>>
    tpu.enqueue_dma source(%dma_start3A_104 : memref<2x11008xf32, #tpu.memory_space<hbm>>) target(%dma_start3A_100 : memref<2x11008xf32, #tpu.memory_space<vmem>>) target_semaphore(%arg12 : memref<!tpu.dma_semaphore, #tpu.memory_space<semaphore_mem>>)
    %dma_start3A_105 = arith.constant 0 : i32
    %dma_start3A_106 = arith.constant 0 : i32
    %dma_start3A_107 = tpu.memref_slice %arg9[%dma_start3A_105, %dma_start3A_106] : memref<2x11076xf32, #tpu.memory_space<vmem>> -> memref<2x11076xf32, #tpu.memory_space<vmem>>
    %dma_start3A_108 = arith.constant 0 : i32
    %dma_start3A_109 = arith.constant 33024 : i32
    %dma_start3A_110 = tpu.memref_slice %arg2[%reduce_max3A_11, %dma_start3A_108, %dma_start3A_109] : memref<128x2x44100xf32, #tpu.memory_space<hbm>> -> memref<1x2x11076xf32, #tpu.memory_space<hbm>>
    %dma_start3A_111 = tpu.memref_squeeze %dma_start3A_110 : memref<1x2x11076xf32, #tpu.memory_space<hbm>> -> memref<2x11076xf32, #tpu.memory_space<hbm>>
    %dma_start3A_112 = arith.constant 0 : i32
    %dma_start3A_113 = arith.constant 0 : i32
    %dma_start3A_114 = tpu.memref_slice %arg9[%dma_start3A_112, %dma_start3A_113] : memref<2x11076xf32, #tpu.memory_space<vmem>> -> memref<2x11076xf32, #tpu.memory_space<vmem>>
    %dma_start3A_115 = arith.constant 0 : i32
    %dma_start3A_116 = arith.constant 33024 : i32
    %dma_start3A_117 = tpu.memref_slice %arg2[%reduce_max3A_11, %dma_start3A_115, %dma_start3A_116] : memref<128x2x44100xf32, #tpu.memory_space<hbm>> -> memref<1x2x11076xf32, #tpu.memory_space<hbm>>
    %dma_start3A_118 = tpu.memref_squeeze %dma_start3A_117 : memref<1x2x11076xf32, #tpu.memory_space<hbm>> -> memref<2x11076xf32, #tpu.memory_space<hbm>>
    tpu.enqueue_dma source(%dma_start3A_118 : memref<2x11076xf32, #tpu.memory_space<hbm>>) target(%dma_start3A_114 : memref<2x11076xf32, #tpu.memory_space<vmem>>) target_semaphore(%arg13 : memref<!tpu.dma_semaphore, #tpu.memory_space<semaphore_mem>>)
    %dma_wait3A = arith.constant 0 : i32
    %dma_wait3A_119 = arith.constant 0 : i32
    %dma_wait3A_120 = tpu.memref_slice %arg6[%dma_wait3A, %dma_wait3A_119] : memref<2x11076xf32, #tpu.memory_space<vmem>> -> memref<2x11008xf32, #tpu.memory_space<vmem>>
    %dma_wait3A_121 = arith.constant 0 : i32
    %dma_wait3A_122 = arith.constant 0 : i32
    %dma_wait3A_123 = tpu.memref_slice %arg2[%reduce_max3A_11, %dma_wait3A_121, %dma_wait3A_122] : memref<128x2x44100xf32, #tpu.memory_space<hbm>> -> memref<1x2x11008xf32, #tpu.memory_space<hbm>>
    %dma_wait3A_124 = tpu.memref_squeeze %dma_wait3A_123 : memref<1x2x11008xf32, #tpu.memory_space<hbm>> -> memref<2x11008xf32, #tpu.memory_space<hbm>>
    %dma_wait3A_125 = arith.constant 0 : i32
    %dma_wait3A_126 = arith.constant 0 : i32
    %dma_wait3A_127 = tpu.memref_slice %arg6[%dma_wait3A_125, %dma_wait3A_126] : memref<2x11076xf32, #tpu.memory_space<vmem>> -> memref<2x11008xf32, #tpu.memory_space<vmem>>
    %dma_wait3A_128 = arith.constant 0 : i32
    %dma_wait3A_129 = arith.constant 0 : i32
    %dma_wait3A_130 = tpu.memref_slice %arg2[%reduce_max3A_11, %dma_wait3A_128, %dma_wait3A_129] : memref<128x2x44100xf32, #tpu.memory_space<hbm>> -> memref<1x2x11008xf32, #tpu.memory_space<hbm>>
    %dma_wait3A_131 = tpu.memref_squeeze %dma_wait3A_130 : memref<1x2x11008xf32, #tpu.memory_space<hbm>> -> memref<2x11008xf32, #tpu.memory_space<hbm>>
    tpu.wait_dma2 semaphore(%arg10 : memref<!tpu.dma_semaphore, #tpu.memory_space<semaphore_mem>>) src(%dma_wait3A_131 : memref<2x11008xf32, #tpu.memory_space<hbm>>) dst(%dma_wait3A_127 : memref<2x11008xf32, #tpu.memory_space<vmem>>)
    %dma_start3A_132 = arith.constant 0 : i32
    %dma_start3A_133 = arith.constant 0 : i32
    %dma_start3A_134 = tpu.memref_slice %arg6[%dma_start3A_132, %dma_start3A_133] : memref<2x11076xf32, #tpu.memory_space<vmem>> -> memref<2x11008xf32, #tpu.memory_space<vmem>>
    %dma_start3A_135 = arith.constant 0 : i32
    %dma_start3A_136 = arith.constant 0 : i32
    %dma_start3A_137 = tpu.memref_slice %arg4[%add3A_51, %dma_start3A_135, %dma_start3A_136] : memref<128x2x44100xf32, #tpu.memory_space<hbm>> -> memref<1x2x11008xf32, #tpu.memory_space<hbm>>
    %dma_start3A_138 = tpu.memref_squeeze %dma_start3A_137 : memref<1x2x11008xf32, #tpu.memory_space<hbm>> -> memref<2x11008xf32, #tpu.memory_space<hbm>>
    %dma_start3A_139 = arith.constant 0 : i32
    %dma_start3A_140 = arith.constant 0 : i32
    %dma_start3A_141 = tpu.memref_slice %arg4[%add3A_51, %dma_start3A_139, %dma_start3A_140] : memref<128x2x44100xf32, #tpu.memory_space<hbm>> -> memref<1x2x11008xf32, #tpu.memory_space<hbm>>
    %dma_start3A_142 = tpu.memref_squeeze %dma_start3A_141 : memref<1x2x11008xf32, #tpu.memory_space<hbm>> -> memref<2x11008xf32, #tpu.memory_space<hbm>>
    %dma_start3A_143 = arith.constant 0 : i32
    %dma_start3A_144 = arith.constant 0 : i32
    %dma_start3A_145 = tpu.memref_slice %arg6[%dma_start3A_143, %dma_start3A_144] : memref<2x11076xf32, #tpu.memory_space<vmem>> -> memref<2x11008xf32, #tpu.memory_space<vmem>>
    tpu.enqueue_dma source(%dma_start3A_145 : memref<2x11008xf32, #tpu.memory_space<vmem>>) target(%dma_start3A_142 : memref<2x11008xf32, #tpu.memory_space<hbm>>) target_semaphore(%arg14 : memref<!tpu.dma_semaphore, #tpu.memory_space<semaphore_mem>>)
    %dma_wait3A_146 = arith.constant 0 : i32
    %dma_wait3A_147 = arith.constant 0 : i32
    %dma_wait3A_148 = tpu.memref_slice %arg6[%dma_wait3A_146, %dma_wait3A_147] : memref<2x11076xf32, #tpu.memory_space<vmem>> -> memref<2x11008xf32, #tpu.memory_space<vmem>>
    %dma_wait3A_149 = arith.constant 0 : i32
    %dma_wait3A_150 = arith.constant 0 : i32
    %dma_wait3A_151 = tpu.memref_slice %arg4[%add3A_51, %dma_wait3A_149, %dma_wait3A_150] : memref<128x2x44100xf32, #tpu.memory_space<hbm>> -> memref<1x2x11008xf32, #tpu.memory_space<hbm>>
    %dma_wait3A_152 = tpu.memref_squeeze %dma_wait3A_151 : memref<1x2x11008xf32, #tpu.memory_space<hbm>> -> memref<2x11008xf32, #tpu.memory_space<hbm>>
    %dma_wait3A_153 = arith.constant 0 : i32
    %dma_wait3A_154 = arith.constant 0 : i32
    %dma_wait3A_155 = tpu.memref_slice %arg4[%add3A_51, %dma_wait3A_153, %dma_wait3A_154] : memref<128x2x44100xf32, #tpu.memory_space<hbm>> -> memref<1x2x11008xf32, #tpu.memory_space<hbm>>
    %dma_wait3A_156 = tpu.memref_squeeze %dma_wait3A_155 : memref<1x2x11008xf32, #tpu.memory_space<hbm>> -> memref<2x11008xf32, #tpu.memory_space<hbm>>
    %dma_wait3A_157 = arith.constant 0 : i32
    %dma_wait3A_158 = arith.constant 0 : i32
    %dma_wait3A_159 = tpu.memref_slice %arg6[%dma_wait3A_157, %dma_wait3A_158] : memref<2x11076xf32, #tpu.memory_space<vmem>> -> memref<2x11008xf32, #tpu.memory_space<vmem>>
    tpu.wait_dma2 semaphore(%arg14 : memref<!tpu.dma_semaphore, #tpu.memory_space<semaphore_mem>>) src(%dma_wait3A_159 : memref<2x11008xf32, #tpu.memory_space<vmem>>) dst(%dma_wait3A_156 : memref<2x11008xf32, #tpu.memory_space<hbm>>)
    %dma_start3A_160 = arith.constant 0 : i32
    %dma_start3A_161 = arith.constant 0 : i32
    %dma_start3A_162 = tpu.memref_slice %arg6[%dma_start3A_160, %dma_start3A_161] : memref<2x11076xf32, #tpu.memory_space<vmem>> -> memref<2x11008xf32, #tpu.memory_space<vmem>>
    %dma_start3A_163 = arith.constant 0 : i32
    %dma_start3A_164 = arith.constant 0 : i32
    %dma_start3A_165 = tpu.memref_slice %arg2[%reduce_max3A_23, %dma_start3A_163, %dma_start3A_164] : memref<128x2x44100xf32, #tpu.memory_space<hbm>> -> memref<1x2x11008xf32, #tpu.memory_space<hbm>>
    %dma_start3A_166 = tpu.memref_squeeze %dma_start3A_165 : memref<1x2x11008xf32, #tpu.memory_space<hbm>> -> memref<2x11008xf32, #tpu.memory_space<hbm>>
    %dma_start3A_167 = arith.constant 0 : i32
    %dma_start3A_168 = arith.constant 0 : i32
    %dma_start3A_169 = tpu.memref_slice %arg6[%dma_start3A_167, %dma_start3A_168] : memref<2x11076xf32, #tpu.memory_space<vmem>> -> memref<2x11008xf32, #tpu.memory_space<vmem>>
    %dma_start3A_170 = arith.constant 0 : i32
    %dma_start3A_171 = arith.constant 0 : i32
    %dma_start3A_172 = tpu.memref_slice %arg2[%reduce_max3A_23, %dma_start3A_170, %dma_start3A_171] : memref<128x2x44100xf32, #tpu.memory_space<hbm>> -> memref<1x2x11008xf32, #tpu.memory_space<hbm>>
    %dma_start3A_173 = tpu.memref_squeeze %dma_start3A_172 : memref<1x2x11008xf32, #tpu.memory_space<hbm>> -> memref<2x11008xf32, #tpu.memory_space<hbm>>
    tpu.enqueue_dma source(%dma_start3A_173 : memref<2x11008xf32, #tpu.memory_space<hbm>>) target(%dma_start3A_169 : memref<2x11008xf32, #tpu.memory_space<vmem>>) target_semaphore(%arg10 : memref<!tpu.dma_semaphore, #tpu.memory_space<semaphore_mem>>)
    %dma_wait3A_174 = arith.constant 0 : i32
    %dma_wait3A_175 = arith.constant 0 : i32
    %dma_wait3A_176 = tpu.memref_slice %arg7[%dma_wait3A_174, %dma_wait3A_175] : memref<2x11076xf32, #tpu.memory_space<vmem>> -> memref<2x11008xf32, #tpu.memory_space<vmem>>
    %dma_wait3A_177 = arith.constant 0 : i32
    %dma_wait3A_178 = arith.constant 11008 : i32
    %dma_wait3A_179 = tpu.memref_slice %arg2[%reduce_max3A_11, %dma_wait3A_177, %dma_wait3A_178] : memref<128x2x44100xf32, #tpu.memory_space<hbm>> -> memref<1x2x11008xf32, #tpu.memory_space<hbm>>
    %dma_wait3A_180 = tpu.memref_squeeze %dma_wait3A_179 : memref<1x2x11008xf32, #tpu.memory_space<hbm>> -> memref<2x11008xf32, #tpu.memory_space<hbm>>
    %dma_wait3A_181 = arith.constant 0 : i32
    %dma_wait3A_182 = arith.constant 0 : i32
    %dma_wait3A_183 = tpu.memref_slice %arg7[%dma_wait3A_181, %dma_wait3A_182] : memref<2x11076xf32, #tpu.memory_space<vmem>> -> memref<2x11008xf32, #tpu.memory_space<vmem>>
    %dma_wait3A_184 = arith.constant 0 : i32
    %dma_wait3A_185 = arith.constant 11008 : i32
    %dma_wait3A_186 = tpu.memref_slice %arg2[%reduce_max3A_11, %dma_wait3A_184, %dma_wait3A_185] : memref<128x2x44100xf32, #tpu.memory_space<hbm>> -> memref<1x2x11008xf32, #tpu.memory_space<hbm>>
    %dma_wait3A_187 = tpu.memref_squeeze %dma_wait3A_186 : memref<1x2x11008xf32, #tpu.memory_space<hbm>> -> memref<2x11008xf32, #tpu.memory_space<hbm>>
    tpu.wait_dma2 semaphore(%arg11 : memref<!tpu.dma_semaphore, #tpu.memory_space<semaphore_mem>>) src(%dma_wait3A_187 : memref<2x11008xf32, #tpu.memory_space<hbm>>) dst(%dma_wait3A_183 : memref<2x11008xf32, #tpu.memory_space<vmem>>)
    %dma_start3A_188 = arith.constant 0 : i32
    %dma_start3A_189 = arith.constant 0 : i32
    %dma_start3A_190 = tpu.memref_slice %arg7[%dma_start3A_188, %dma_start3A_189] : memref<2x11076xf32, #tpu.memory_space<vmem>> -> memref<2x11008xf32, #tpu.memory_space<vmem>>
    %dma_start3A_191 = arith.constant 0 : i32
    %dma_start3A_192 = arith.constant 11008 : i32
    %dma_start3A_193 = tpu.memref_slice %arg4[%add3A_51, %dma_start3A_191, %dma_start3A_192] : memref<128x2x44100xf32, #tpu.memory_space<hbm>> -> memref<1x2x11008xf32, #tpu.memory_space<hbm>>
    %dma_start3A_194 = tpu.memref_squeeze %dma_start3A_193 : memref<1x2x11008xf32, #tpu.memory_space<hbm>> -> memref<2x11008xf32, #tpu.memory_space<hbm>>
    %dma_start3A_195 = arith.constant 0 : i32
    %dma_start3A_196 = arith.constant 11008 : i32
    %dma_start3A_197 = tpu.memref_slice %arg4[%add3A_51, %dma_start3A_195, %dma_start3A_196] : memref<128x2x44100xf32, #tpu.memory_space<hbm>> -> memref<1x2x11008xf32, #tpu.memory_space<hbm>>
    %dma_start3A_198 = tpu.memref_squeeze %dma_start3A_197 : memref<1x2x11008xf32, #tpu.memory_space<hbm>> -> memref<2x11008xf32, #tpu.memory_space<hbm>>
    %dma_start3A_199 = arith.constant 0 : i32
    %dma_start3A_200 = arith.constant 0 : i32
    %dma_start3A_201 = tpu.memref_slice %arg7[%dma_start3A_199, %dma_start3A_200] : memref<2x11076xf32, #tpu.memory_space<vmem>> -> memref<2x11008xf32, #tpu.memory_space<vmem>>
    tpu.enqueue_dma source(%dma_start3A_201 : memref<2x11008xf32, #tpu.memory_space<vmem>>) target(%dma_start3A_198 : memref<2x11008xf32, #tpu.memory_space<hbm>>) target_semaphore(%arg15 : memref<!tpu.dma_semaphore, #tpu.memory_space<semaphore_mem>>)
    %dma_wait3A_202 = arith.constant 0 : i32
    %dma_wait3A_203 = arith.constant 0 : i32
    %dma_wait3A_204 = tpu.memref_slice %arg7[%dma_wait3A_202, %dma_wait3A_203] : memref<2x11076xf32, #tpu.memory_space<vmem>> -> memref<2x11008xf32, #tpu.memory_space<vmem>>
    %dma_wait3A_205 = arith.constant 0 : i32
    %dma_wait3A_206 = arith.constant 11008 : i32
    %dma_wait3A_207 = tpu.memref_slice %arg4[%add3A_51, %dma_wait3A_205, %dma_wait3A_206] : memref<128x2x44100xf32, #tpu.memory_space<hbm>> -> memref<1x2x11008xf32, #tpu.memory_space<hbm>>
    %dma_wait3A_208 = tpu.memref_squeeze %dma_wait3A_207 : memref<1x2x11008xf32, #tpu.memory_space<hbm>> -> memref<2x11008xf32, #tpu.memory_space<hbm>>
    %dma_wait3A_209 = arith.constant 0 : i32
    %dma_wait3A_210 = arith.constant 11008 : i32
    %dma_wait3A_211 = tpu.memref_slice %arg4[%add3A_51, %dma_wait3A_209, %dma_wait3A_210] : memref<128x2x44100xf32, #tpu.memory_space<hbm>> -> memref<1x2x11008xf32, #tpu.memory_space<hbm>>
    %dma_wait3A_212 = tpu.memref_squeeze %dma_wait3A_211 : memref<1x2x11008xf32, #tpu.memory_space<hbm>> -> memref<2x11008xf32, #tpu.memory_space<hbm>>
    %dma_wait3A_213 = arith.constant 0 : i32
    %dma_wait3A_214 = arith.constant 0 : i32
    %dma_wait3A_215 = tpu.memref_slice %arg7[%dma_wait3A_213, %dma_wait3A_214] : memref<2x11076xf32, #tpu.memory_space<vmem>> -> memref<2x11008xf32, #tpu.memory_space<vmem>>
    tpu.wait_dma2 semaphore(%arg15 : memref<!tpu.dma_semaphore, #tpu.memory_space<semaphore_mem>>) src(%dma_wait3A_215 : memref<2x11008xf32, #tpu.memory_space<vmem>>) dst(%dma_wait3A_212 : memref<2x11008xf32, #tpu.memory_space<hbm>>)
    %dma_start3A_216 = arith.constant 0 : i32
    %dma_start3A_217 = arith.constant 0 : i32
    %dma_start3A_218 = tpu.memref_slice %arg7[%dma_start3A_216, %dma_start3A_217] : memref<2x11076xf32, #tpu.memory_space<vmem>> -> memref<2x11008xf32, #tpu.memory_space<vmem>>
    %dma_start3A_219 = arith.constant 0 : i32
    %dma_start3A_220 = arith.constant 11008 : i32
    %dma_start3A_221 = tpu.memref_slice %arg2[%reduce_max3A_23, %dma_start3A_219, %dma_start3A_220] : memref<128x2x44100xf32, #tpu.memory_space<hbm>> -> memref<1x2x11008xf32, #tpu.memory_space<hbm>>
    %dma_start3A_222 = tpu.memref_squeeze %dma_start3A_221 : memref<1x2x11008xf32, #tpu.memory_space<hbm>> -> memref<2x11008xf32, #tpu.memory_space<hbm>>
    %dma_start3A_223 = arith.constant 0 : i32
    %dma_start3A_224 = arith.constant 0 : i32
    %dma_start3A_225 = tpu.memref_slice %arg7[%dma_start3A_223, %dma_start3A_224] : memref<2x11076xf32, #tpu.memory_space<vmem>> -> memref<2x11008xf32, #tpu.memory_space<vmem>>
    %dma_start3A_226 = arith.constant 0 : i32
    %dma_start3A_227 = arith.constant 11008 : i32
    %dma_start3A_228 = tpu.memref_slice %arg2[%reduce_max3A_23, %dma_start3A_226, %dma_start3A_227] : memref<128x2x44100xf32, #tpu.memory_space<hbm>> -> memref<1x2x11008xf32, #tpu.memory_space<hbm>>
    %dma_start3A_229 = tpu.memref_squeeze %dma_start3A_228 : memref<1x2x11008xf32, #tpu.memory_space<hbm>> -> memref<2x11008xf32, #tpu.memory_space<hbm>>
    tpu.enqueue_dma source(%dma_start3A_229 : memref<2x11008xf32, #tpu.memory_space<hbm>>) target(%dma_start3A_225 : memref<2x11008xf32, #tpu.memory_space<vmem>>) target_semaphore(%arg11 : memref<!tpu.dma_semaphore, #tpu.memory_space<semaphore_mem>>)
    %dma_wait3A_230 = arith.constant 0 : i32
    %dma_wait3A_231 = arith.constant 0 : i32
    %dma_wait3A_232 = tpu.memref_slice %arg8[%dma_wait3A_230, %dma_wait3A_231] : memref<2x11076xf32, #tpu.memory_space<vmem>> -> memref<2x11008xf32, #tpu.memory_space<vmem>>
    %dma_wait3A_233 = arith.constant 0 : i32
    %dma_wait3A_234 = arith.constant 22016 : i32
    %dma_wait3A_235 = tpu.memref_slice %arg2[%reduce_max3A_11, %dma_wait3A_233, %dma_wait3A_234] : memref<128x2x44100xf32, #tpu.memory_space<hbm>> -> memref<1x2x11008xf32, #tpu.memory_space<hbm>>
    %dma_wait3A_236 = tpu.memref_squeeze %dma_wait3A_235 : memref<1x2x11008xf32, #tpu.memory_space<hbm>> -> memref<2x11008xf32, #tpu.memory_space<hbm>>
    %dma_wait3A_237 = arith.constant 0 : i32
    %dma_wait3A_238 = arith.constant 0 : i32
    %dma_wait3A_239 = tpu.memref_slice %arg8[%dma_wait3A_237, %dma_wait3A_238] : memref<2x11076xf32, #tpu.memory_space<vmem>> -> memref<2x11008xf32, #tpu.memory_space<vmem>>
    %dma_wait3A_240 = arith.constant 0 : i32
    %dma_wait3A_241 = arith.constant 22016 : i32
    %dma_wait3A_242 = tpu.memref_slice %arg2[%reduce_max3A_11, %dma_wait3A_240, %dma_wait3A_241] : memref<128x2x44100xf32, #tpu.memory_space<hbm>> -> memref<1x2x11008xf32, #tpu.memory_space<hbm>>
    %dma_wait3A_243 = tpu.memref_squeeze %dma_wait3A_242 : memref<1x2x11008xf32, #tpu.memory_space<hbm>> -> memref<2x11008xf32, #tpu.memory_space<hbm>>
    tpu.wait_dma2 semaphore(%arg12 : memref<!tpu.dma_semaphore, #tpu.memory_space<semaphore_mem>>) src(%dma_wait3A_243 : memref<2x11008xf32, #tpu.memory_space<hbm>>) dst(%dma_wait3A_239 : memref<2x11008xf32, #tpu.memory_space<vmem>>)
    %dma_start3A_244 = arith.constant 0 : i32
    %dma_start3A_245 = arith.constant 0 : i32
    %dma_start3A_246 = tpu.memref_slice %arg8[%dma_start3A_244, %dma_start3A_245] : memref<2x11076xf32, #tpu.memory_space<vmem>> -> memref<2x11008xf32, #tpu.memory_space<vmem>>
    %dma_start3A_247 = arith.constant 0 : i32
    %dma_start3A_248 = arith.constant 22016 : i32
    %dma_start3A_249 = tpu.memref_slice %arg4[%add3A_51, %dma_start3A_247, %dma_start3A_248] : memref<128x2x44100xf32, #tpu.memory_space<hbm>> -> memref<1x2x11008xf32, #tpu.memory_space<hbm>>
    %dma_start3A_250 = tpu.memref_squeeze %dma_start3A_249 : memref<1x2x11008xf32, #tpu.memory_space<hbm>> -> memref<2x11008xf32, #tpu.memory_space<hbm>>
    %dma_start3A_251 = arith.constant 0 : i32
    %dma_start3A_252 = arith.constant 22016 : i32
    %dma_start3A_253 = tpu.memref_slice %arg4[%add3A_51, %dma_start3A_251, %dma_start3A_252] : memref<128x2x44100xf32, #tpu.memory_space<hbm>> -> memref<1x2x11008xf32, #tpu.memory_space<hbm>>
    %dma_start3A_254 = tpu.memref_squeeze %dma_start3A_253 : memref<1x2x11008xf32, #tpu.memory_space<hbm>> -> memref<2x11008xf32, #tpu.memory_space<hbm>>
    %dma_start3A_255 = arith.constant 0 : i32
    %dma_start3A_256 = arith.constant 0 : i32
    %dma_start3A_257 = tpu.memref_slice %arg8[%dma_start3A_255, %dma_start3A_256] : memref<2x11076xf32, #tpu.memory_space<vmem>> -> memref<2x11008xf32, #tpu.memory_space<vmem>>
    tpu.enqueue_dma source(%dma_start3A_257 : memref<2x11008xf32, #tpu.memory_space<vmem>>) target(%dma_start3A_254 : memref<2x11008xf32, #tpu.memory_space<hbm>>) target_semaphore(%arg16 : memref<!tpu.dma_semaphore, #tpu.memory_space<semaphore_mem>>)
    %dma_wait3A_258 = arith.constant 0 : i32
    %dma_wait3A_259 = arith.constant 0 : i32
    %dma_wait3A_260 = tpu.memref_slice %arg8[%dma_wait3A_258, %dma_wait3A_259] : memref<2x11076xf32, #tpu.memory_space<vmem>> -> memref<2x11008xf32, #tpu.memory_space<vmem>>
    %dma_wait3A_261 = arith.constant 0 : i32
    %dma_wait3A_262 = arith.constant 22016 : i32
    %dma_wait3A_263 = tpu.memref_slice %arg4[%add3A_51, %dma_wait3A_261, %dma_wait3A_262] : memref<128x2x44100xf32, #tpu.memory_space<hbm>> -> memref<1x2x11008xf32, #tpu.memory_space<hbm>>
    %dma_wait3A_264 = tpu.memref_squeeze %dma_wait3A_263 : memref<1x2x11008xf32, #tpu.memory_space<hbm>> -> memref<2x11008xf32, #tpu.memory_space<hbm>>
    %dma_wait3A_265 = arith.constant 0 : i32
    %dma_wait3A_266 = arith.constant 22016 : i32
    %dma_wait3A_267 = tpu.memref_slice %arg4[%add3A_51, %dma_wait3A_265, %dma_wait3A_266] : memref<128x2x44100xf32, #tpu.memory_space<hbm>> -> memref<1x2x11008xf32, #tpu.memory_space<hbm>>
    %dma_wait3A_268 = tpu.memref_squeeze %dma_wait3A_267 : memref<1x2x11008xf32, #tpu.memory_space<hbm>> -> memref<2x11008xf32, #tpu.memory_space<hbm>>
    %dma_wait3A_269 = arith.constant 0 : i32
    %dma_wait3A_270 = arith.constant 0 : i32
    %dma_wait3A_271 = tpu.memref_slice %arg8[%dma_wait3A_269, %dma_wait3A_270] : memref<2x11076xf32, #tpu.memory_space<vmem>> -> memref<2x11008xf32, #tpu.memory_space<vmem>>
    tpu.wait_dma2 semaphore(%arg16 : memref<!tpu.dma_semaphore, #tpu.memory_space<semaphore_mem>>) src(%dma_wait3A_271 : memref<2x11008xf32, #tpu.memory_space<vmem>>) dst(%dma_wait3A_268 : memref<2x11008xf32, #tpu.memory_space<hbm>>)
    %dma_start3A_272 = arith.constant 0 : i32
    %dma_start3A_273 = arith.constant 0 : i32
    %dma_start3A_274 = tpu.memref_slice %arg8[%dma_start3A_272, %dma_start3A_273] : memref<2x11076xf32, #tpu.memory_space<vmem>> -> memref<2x11008xf32, #tpu.memory_space<vmem>>
    %dma_start3A_275 = arith.constant 0 : i32
    %dma_start3A_276 = arith.constant 22016 : i32
    %dma_start3A_277 = tpu.memref_slice %arg2[%reduce_max3A_23, %dma_start3A_275, %dma_start3A_276] : memref<128x2x44100xf32, #tpu.memory_space<hbm>> -> memref<1x2x11008xf32, #tpu.memory_space<hbm>>
    %dma_start3A_278 = tpu.memref_squeeze %dma_start3A_277 : memref<1x2x11008xf32, #tpu.memory_space<hbm>> -> memref<2x11008xf32, #tpu.memory_space<hbm>>
    %dma_start3A_279 = arith.constant 0 : i32
    %dma_start3A_280 = arith.constant 0 : i32
    %dma_start3A_281 = tpu.memref_slice %arg8[%dma_start3A_279, %dma_start3A_280] : memref<2x11076xf32, #tpu.memory_space<vmem>> -> memref<2x11008xf32, #tpu.memory_space<vmem>>
    %dma_start3A_282 = arith.constant 0 : i32
    %dma_start3A_283 = arith.constant 22016 : i32
    %dma_start3A_284 = tpu.memref_slice %arg2[%reduce_max3A_23, %dma_start3A_282, %dma_start3A_283] : memref<128x2x44100xf32, #tpu.memory_space<hbm>> -> memref<1x2x11008xf32, #tpu.memory_space<hbm>>
    %dma_start3A_285 = tpu.memref_squeeze %dma_start3A_284 : memref<1x2x11008xf32, #tpu.memory_space<hbm>> -> memref<2x11008xf32, #tpu.memory_space<hbm>>
    tpu.enqueue_dma source(%dma_start3A_285 : memref<2x11008xf32, #tpu.memory_space<hbm>>) target(%dma_start3A_281 : memref<2x11008xf32, #tpu.memory_space<vmem>>) target_semaphore(%arg12 : memref<!tpu.dma_semaphore, #tpu.memory_space<semaphore_mem>>)
    %dma_wait3A_286 = arith.constant 0 : i32
    %dma_wait3A_287 = arith.constant 0 : i32
    %dma_wait3A_288 = tpu.memref_slice %arg9[%dma_wait3A_286, %dma_wait3A_287] : memref<2x11076xf32, #tpu.memory_space<vmem>> -> memref<2x11076xf32, #tpu.memory_space<vmem>>
    %dma_wait3A_289 = arith.constant 0 : i32
    %dma_wait3A_290 = arith.constant 33024 : i32
    %dma_wait3A_291 = tpu.memref_slice %arg2[%reduce_max3A_11, %dma_wait3A_289, %dma_wait3A_290] : memref<128x2x44100xf32, #tpu.memory_space<hbm>> -> memref<1x2x11076xf32, #tpu.memory_space<hbm>>
    %dma_wait3A_292 = tpu.memref_squeeze %dma_wait3A_291 : memref<1x2x11076xf32, #tpu.memory_space<hbm>> -> memref<2x11076xf32, #tpu.memory_space<hbm>>
    %dma_wait3A_293 = arith.constant 0 : i32
    %dma_wait3A_294 = arith.constant 0 : i32
    %dma_wait3A_295 = tpu.memref_slice %arg9[%dma_wait3A_293, %dma_wait3A_294] : memref<2x11076xf32, #tpu.memory_space<vmem>> -> memref<2x11076xf32, #tpu.memory_space<vmem>>
    %dma_wait3A_296 = arith.constant 0 : i32
    %dma_wait3A_297 = arith.constant 33024 : i32
    %dma_wait3A_298 = tpu.memref_slice %arg2[%reduce_max3A_11, %dma_wait3A_296, %dma_wait3A_297] : memref<128x2x44100xf32, #tpu.memory_space<hbm>> -> memref<1x2x11076xf32, #tpu.memory_space<hbm>>
    %dma_wait3A_299 = tpu.memref_squeeze %dma_wait3A_298 : memref<1x2x11076xf32, #tpu.memory_space<hbm>> -> memref<2x11076xf32, #tpu.memory_space<hbm>>
    tpu.wait_dma2 semaphore(%arg13 : memref<!tpu.dma_semaphore, #tpu.memory_space<semaphore_mem>>) src(%dma_wait3A_299 : memref<2x11076xf32, #tpu.memory_space<hbm>>) dst(%dma_wait3A_295 : memref<2x11076xf32, #tpu.memory_space<vmem>>)
    %dma_start3A_300 = arith.constant 0 : i32
    %dma_start3A_301 = arith.constant 0 : i32
    %dma_start3A_302 = tpu.memref_slice %arg9[%dma_start3A_300, %dma_start3A_301] : memref<2x11076xf32, #tpu.memory_space<vmem>> -> memref<2x11076xf32, #tpu.memory_space<vmem>>
    %dma_start3A_303 = arith.constant 0 : i32
    %dma_start3A_304 = arith.constant 33024 : i32
    %dma_start3A_305 = tpu.memref_slice %arg4[%add3A_51, %dma_start3A_303, %dma_start3A_304] : memref<128x2x44100xf32, #tpu.memory_space<hbm>> -> memref<1x2x11076xf32, #tpu.memory_space<hbm>>
    %dma_start3A_306 = tpu.memref_squeeze %dma_start3A_305 : memref<1x2x11076xf32, #tpu.memory_space<hbm>> -> memref<2x11076xf32, #tpu.memory_space<hbm>>
    %dma_start3A_307 = arith.constant 0 : i32
    %dma_start3A_308 = arith.constant 33024 : i32
    %dma_start3A_309 = tpu.memref_slice %arg4[%add3A_51, %dma_start3A_307, %dma_start3A_308] : memref<128x2x44100xf32, #tpu.memory_space<hbm>> -> memref<1x2x11076xf32, #tpu.memory_space<hbm>>
    %dma_start3A_310 = tpu.memref_squeeze %dma_start3A_309 : memref<1x2x11076xf32, #tpu.memory_space<hbm>> -> memref<2x11076xf32, #tpu.memory_space<hbm>>
    %dma_start3A_311 = arith.constant 0 : i32
    %dma_start3A_312 = arith.constant 0 : i32
    %dma_start3A_313 = tpu.memref_slice %arg9[%dma_start3A_311, %dma_start3A_312] : memref<2x11076xf32, #tpu.memory_space<vmem>> -> memref<2x11076xf32, #tpu.memory_space<vmem>>
    tpu.enqueue_dma source(%dma_start3A_313 : memref<2x11076xf32, #tpu.memory_space<vmem>>) target(%dma_start3A_310 : memref<2x11076xf32, #tpu.memory_space<hbm>>) target_semaphore(%arg17 : memref<!tpu.dma_semaphore, #tpu.memory_space<semaphore_mem>>)
    %dma_wait3A_314 = arith.constant 0 : i32
    %dma_wait3A_315 = arith.constant 0 : i32
    %dma_wait3A_316 = tpu.memref_slice %arg9[%dma_wait3A_314, %dma_wait3A_315] : memref<2x11076xf32, #tpu.memory_space<vmem>> -> memref<2x11076xf32, #tpu.memory_space<vmem>>
    %dma_wait3A_317 = arith.constant 0 : i32
    %dma_wait3A_318 = arith.constant 33024 : i32
    %dma_wait3A_319 = tpu.memref_slice %arg4[%add3A_51, %dma_wait3A_317, %dma_wait3A_318] : memref<128x2x44100xf32, #tpu.memory_space<hbm>> -> memref<1x2x11076xf32, #tpu.memory_space<hbm>>
    %dma_wait3A_320 = tpu.memref_squeeze %dma_wait3A_319 : memref<1x2x11076xf32, #tpu.memory_space<hbm>> -> memref<2x11076xf32, #tpu.memory_space<hbm>>
    %dma_wait3A_321 = arith.constant 0 : i32
    %dma_wait3A_322 = arith.constant 33024 : i32
    %dma_wait3A_323 = tpu.memref_slice %arg4[%add3A_51, %dma_wait3A_321, %dma_wait3A_322] : memref<128x2x44100xf32, #tpu.memory_space<hbm>> -> memref<1x2x11076xf32, #tpu.memory_space<hbm>>
    %dma_wait3A_324 = tpu.memref_squeeze %dma_wait3A_323 : memref<1x2x11076xf32, #tpu.memory_space<hbm>> -> memref<2x11076xf32, #tpu.memory_space<hbm>>
    %dma_wait3A_325 = arith.constant 0 : i32
    %dma_wait3A_326 = arith.constant 0 : i32
    %dma_wait3A_327 = tpu.memref_slice %arg9[%dma_wait3A_325, %dma_wait3A_326] : memref<2x11076xf32, #tpu.memory_space<vmem>> -> memref<2x11076xf32, #tpu.memory_space<vmem>>
    tpu.wait_dma2 semaphore(%arg17 : memref<!tpu.dma_semaphore, #tpu.memory_space<semaphore_mem>>) src(%dma_wait3A_327 : memref<2x11076xf32, #tpu.memory_space<vmem>>) dst(%dma_wait3A_324 : memref<2x11076xf32, #tpu.memory_space<hbm>>)
    %dma_start3A_328 = arith.constant 0 : i32
    %dma_start3A_329 = arith.constant 0 : i32
    %dma_start3A_330 = tpu.memref_slice %arg9[%dma_start3A_328, %dma_start3A_329] : memref<2x11076xf32, #tpu.memory_space<vmem>> -> memref<2x11076xf32, #tpu.memory_space<vmem>>
    %dma_start3A_331 = arith.constant 0 : i32
    %dma_start3A_332 = arith.constant 33024 : i32
    %dma_start3A_333 = tpu.memref_slice %arg2[%reduce_max3A_23, %dma_start3A_331, %dma_start3A_332] : memref<128x2x44100xf32, #tpu.memory_space<hbm>> -> memref<1x2x11076xf32, #tpu.memory_space<hbm>>
    %dma_start3A_334 = tpu.memref_squeeze %dma_start3A_333 : memref<1x2x11076xf32, #tpu.memory_space<hbm>> -> memref<2x11076xf32, #tpu.memory_space<hbm>>
    %dma_start3A_335 = arith.constant 0 : i32
    %dma_start3A_336 = arith.constant 0 : i32
    %dma_start3A_337 = tpu.memref_slice %arg9[%dma_start3A_335, %dma_start3A_336] : memref<2x11076xf32, #tpu.memory_space<vmem>> -> memref<2x11076xf32, #tpu.memory_space<vmem>>
    %dma_start3A_338 = arith.constant 0 : i32
    %dma_start3A_339 = arith.constant 33024 : i32
    %dma_start3A_340 = tpu.memref_slice %arg2[%reduce_max3A_23, %dma_start3A_338, %dma_start3A_339] : memref<128x2x44100xf32, #tpu.memory_space<hbm>> -> memref<1x2x11076xf32, #tpu.memory_space<hbm>>
    %dma_start3A_341 = tpu.memref_squeeze %dma_start3A_340 : memref<1x2x11076xf32, #tpu.memory_space<hbm>> -> memref<2x11076xf32, #tpu.memory_space<hbm>>
    tpu.enqueue_dma source(%dma_start3A_341 : memref<2x11076xf32, #tpu.memory_space<hbm>>) target(%dma_start3A_337 : memref<2x11076xf32, #tpu.memory_space<vmem>>) target_semaphore(%arg13 : memref<!tpu.dma_semaphore, #tpu.memory_space<semaphore_mem>>)
    %dma_wait3A_342 = arith.constant 0 : i32
    %dma_wait3A_343 = arith.constant 0 : i32
    %dma_wait3A_344 = tpu.memref_slice %arg6[%dma_wait3A_342, %dma_wait3A_343] : memref<2x11076xf32, #tpu.memory_space<vmem>> -> memref<2x11008xf32, #tpu.memory_space<vmem>>
    %dma_wait3A_345 = arith.constant 0 : i32
    %dma_wait3A_346 = arith.constant 0 : i32
    %dma_wait3A_347 = tpu.memref_slice %arg2[%reduce_max3A_23, %dma_wait3A_345, %dma_wait3A_346] : memref<128x2x44100xf32, #tpu.memory_space<hbm>> -> memref<1x2x11008xf32, #tpu.memory_space<hbm>>
    %dma_wait3A_348 = tpu.memref_squeeze %dma_wait3A_347 : memref<1x2x11008xf32, #tpu.memory_space<hbm>> -> memref<2x11008xf32, #tpu.memory_space<hbm>>
    %dma_wait3A_349 = arith.constant 0 : i32
    %dma_wait3A_350 = arith.constant 0 : i32
    %dma_wait3A_351 = tpu.memref_slice %arg6[%dma_wait3A_349, %dma_wait3A_350] : memref<2x11076xf32, #tpu.memory_space<vmem>> -> memref<2x11008xf32, #tpu.memory_space<vmem>>
    %dma_wait3A_352 = arith.constant 0 : i32
    %dma_wait3A_353 = arith.constant 0 : i32
    %dma_wait3A_354 = tpu.memref_slice %arg2[%reduce_max3A_23, %dma_wait3A_352, %dma_wait3A_353] : memref<128x2x44100xf32, #tpu.memory_space<hbm>> -> memref<1x2x11008xf32, #tpu.memory_space<hbm>>
    %dma_wait3A_355 = tpu.memref_squeeze %dma_wait3A_354 : memref<1x2x11008xf32, #tpu.memory_space<hbm>> -> memref<2x11008xf32, #tpu.memory_space<hbm>>
    tpu.wait_dma2 semaphore(%arg10 : memref<!tpu.dma_semaphore, #tpu.memory_space<semaphore_mem>>) src(%dma_wait3A_355 : memref<2x11008xf32, #tpu.memory_space<hbm>>) dst(%dma_wait3A_351 : memref<2x11008xf32, #tpu.memory_space<vmem>>)
    %dma_start3A_356 = arith.constant 0 : i32
    %dma_start3A_357 = arith.constant 0 : i32
    %dma_start3A_358 = tpu.memref_slice %arg6[%dma_start3A_356, %dma_start3A_357] : memref<2x11076xf32, #tpu.memory_space<vmem>> -> memref<2x11008xf32, #tpu.memory_space<vmem>>
    %dma_start3A_359 = arith.constant 0 : i32
    %dma_start3A_360 = arith.constant 0 : i32
    %dma_start3A_361 = tpu.memref_slice %arg4[%add3A_55, %dma_start3A_359, %dma_start3A_360] : memref<128x2x44100xf32, #tpu.memory_space<hbm>> -> memref<1x2x11008xf32, #tpu.memory_space<hbm>>
    %dma_start3A_362 = tpu.memref_squeeze %dma_start3A_361 : memref<1x2x11008xf32, #tpu.memory_space<hbm>> -> memref<2x11008xf32, #tpu.memory_space<hbm>>
    %dma_start3A_363 = arith.constant 0 : i32
    %dma_start3A_364 = arith.constant 0 : i32
    %dma_start3A_365 = tpu.memref_slice %arg4[%add3A_55, %dma_start3A_363, %dma_start3A_364] : memref<128x2x44100xf32, #tpu.memory_space<hbm>> -> memref<1x2x11008xf32, #tpu.memory_space<hbm>>
    %dma_start3A_366 = tpu.memref_squeeze %dma_start3A_365 : memref<1x2x11008xf32, #tpu.memory_space<hbm>> -> memref<2x11008xf32, #tpu.memory_space<hbm>>
    %dma_start3A_367 = arith.constant 0 : i32
    %dma_start3A_368 = arith.constant 0 : i32
    %dma_start3A_369 = tpu.memref_slice %arg6[%dma_start3A_367, %dma_start3A_368] : memref<2x11076xf32, #tpu.memory_space<vmem>> -> memref<2x11008xf32, #tpu.memory_space<vmem>>
    tpu.enqueue_dma source(%dma_start3A_369 : memref<2x11008xf32, #tpu.memory_space<vmem>>) target(%dma_start3A_366 : memref<2x11008xf32, #tpu.memory_space<hbm>>) target_semaphore(%arg14 : memref<!tpu.dma_semaphore, #tpu.memory_space<semaphore_mem>>)
    %dma_wait3A_370 = arith.constant 0 : i32
    %dma_wait3A_371 = arith.constant 0 : i32
    %dma_wait3A_372 = tpu.memref_slice %arg6[%dma_wait3A_370, %dma_wait3A_371] : memref<2x11076xf32, #tpu.memory_space<vmem>> -> memref<2x11008xf32, #tpu.memory_space<vmem>>
    %dma_wait3A_373 = arith.constant 0 : i32
    %dma_wait3A_374 = arith.constant 0 : i32
    %dma_wait3A_375 = tpu.memref_slice %arg4[%add3A_55, %dma_wait3A_373, %dma_wait3A_374] : memref<128x2x44100xf32, #tpu.memory_space<hbm>> -> memref<1x2x11008xf32, #tpu.memory_space<hbm>>
    %dma_wait3A_376 = tpu.memref_squeeze %dma_wait3A_375 : memref<1x2x11008xf32, #tpu.memory_space<hbm>> -> memref<2x11008xf32, #tpu.memory_space<hbm>>
    %dma_wait3A_377 = arith.constant 0 : i32
    %dma_wait3A_378 = arith.constant 0 : i32
    %dma_wait3A_379 = tpu.memref_slice %arg4[%add3A_55, %dma_wait3A_377, %dma_wait3A_378] : memref<128x2x44100xf32, #tpu.memory_space<hbm>> -> memref<1x2x11008xf32, #tpu.memory_space<hbm>>
    %dma_wait3A_380 = tpu.memref_squeeze %dma_wait3A_379 : memref<1x2x11008xf32, #tpu.memory_space<hbm>> -> memref<2x11008xf32, #tpu.memory_space<hbm>>
    %dma_wait3A_381 = arith.constant 0 : i32
    %dma_wait3A_382 = arith.constant 0 : i32
    %dma_wait3A_383 = tpu.memref_slice %arg6[%dma_wait3A_381, %dma_wait3A_382] : memref<2x11076xf32, #tpu.memory_space<vmem>> -> memref<2x11008xf32, #tpu.memory_space<vmem>>
    tpu.wait_dma2 semaphore(%arg14 : memref<!tpu.dma_semaphore, #tpu.memory_space<semaphore_mem>>) src(%dma_wait3A_383 : memref<2x11008xf32, #tpu.memory_space<vmem>>) dst(%dma_wait3A_380 : memref<2x11008xf32, #tpu.memory_space<hbm>>)
    %dma_start3A_384 = arith.constant 0 : i32
    %dma_start3A_385 = arith.constant 0 : i32
    %dma_start3A_386 = tpu.memref_slice %arg6[%dma_start3A_384, %dma_start3A_385] : memref<2x11076xf32, #tpu.memory_space<vmem>> -> memref<2x11008xf32, #tpu.memory_space<vmem>>
    %dma_start3A_387 = arith.constant 0 : i32
    %dma_start3A_388 = arith.constant 0 : i32
    %dma_start3A_389 = tpu.memref_slice %arg2[%reduce_max3A_35, %dma_start3A_387, %dma_start3A_388] : memref<128x2x44100xf32, #tpu.memory_space<hbm>> -> memref<1x2x11008xf32, #tpu.memory_space<hbm>>
    %dma_start3A_390 = tpu.memref_squeeze %dma_start3A_389 : memref<1x2x11008xf32, #tpu.memory_space<hbm>> -> memref<2x11008xf32, #tpu.memory_space<hbm>>
    %dma_start3A_391 = arith.constant 0 : i32
    %dma_start3A_392 = arith.constant 0 : i32
    %dma_start3A_393 = tpu.memref_slice %arg6[%dma_start3A_391, %dma_start3A_392] : memref<2x11076xf32, #tpu.memory_space<vmem>> -> memref<2x11008xf32, #tpu.memory_space<vmem>>
    %dma_start3A_394 = arith.constant 0 : i32
    %dma_start3A_395 = arith.constant 0 : i32
    %dma_start3A_396 = tpu.memref_slice %arg2[%reduce_max3A_35, %dma_start3A_394, %dma_start3A_395] : memref<128x2x44100xf32, #tpu.memory_space<hbm>> -> memref<1x2x11008xf32, #tpu.memory_space<hbm>>
    %dma_start3A_397 = tpu.memref_squeeze %dma_start3A_396 : memref<1x2x11008xf32, #tpu.memory_space<hbm>> -> memref<2x11008xf32, #tpu.memory_space<hbm>>
    tpu.enqueue_dma source(%dma_start3A_397 : memref<2x11008xf32, #tpu.memory_space<hbm>>) target(%dma_start3A_393 : memref<2x11008xf32, #tpu.memory_space<vmem>>) target_semaphore(%arg10 : memref<!tpu.dma_semaphore, #tpu.memory_space<semaphore_mem>>)
    %dma_wait3A_398 = arith.constant 0 : i32
    %dma_wait3A_399 = arith.constant 0 : i32
    %dma_wait3A_400 = tpu.memref_slice %arg7[%dma_wait3A_398, %dma_wait3A_399] : memref<2x11076xf32, #tpu.memory_space<vmem>> -> memref<2x11008xf32, #tpu.memory_space<vmem>>
    %dma_wait3A_401 = arith.constant 0 : i32
    %dma_wait3A_402 = arith.constant 11008 : i32
    %dma_wait3A_403 = tpu.memref_slice %arg2[%reduce_max3A_23, %dma_wait3A_401, %dma_wait3A_402] : memref<128x2x44100xf32, #tpu.memory_space<hbm>> -> memref<1x2x11008xf32, #tpu.memory_space<hbm>>
    %dma_wait3A_404 = tpu.memref_squeeze %dma_wait3A_403 : memref<1x2x11008xf32, #tpu.memory_space<hbm>> -> memref<2x11008xf32, #tpu.memory_space<hbm>>
    %dma_wait3A_405 = arith.constant 0 : i32
    %dma_wait3A_406 = arith.constant 0 : i32
    %dma_wait3A_407 = tpu.memref_slice %arg7[%dma_wait3A_405, %dma_wait3A_406] : memref<2x11076xf32, #tpu.memory_space<vmem>> -> memref<2x11008xf32, #tpu.memory_space<vmem>>
    %dma_wait3A_408 = arith.constant 0 : i32
    %dma_wait3A_409 = arith.constant 11008 : i32
    %dma_wait3A_410 = tpu.memref_slice %arg2[%reduce_max3A_23, %dma_wait3A_408, %dma_wait3A_409] : memref<128x2x44100xf32, #tpu.memory_space<hbm>> -> memref<1x2x11008xf32, #tpu.memory_space<hbm>>
    %dma_wait3A_411 = tpu.memref_squeeze %dma_wait3A_410 : memref<1x2x11008xf32, #tpu.memory_space<hbm>> -> memref<2x11008xf32, #tpu.memory_space<hbm>>
    tpu.wait_dma2 semaphore(%arg11 : memref<!tpu.dma_semaphore, #tpu.memory_space<semaphore_mem>>) src(%dma_wait3A_411 : memref<2x11008xf32, #tpu.memory_space<hbm>>) dst(%dma_wait3A_407 : memref<2x11008xf32, #tpu.memory_space<vmem>>)
    %dma_start3A_412 = arith.constant 0 : i32
    %dma_start3A_413 = arith.constant 0 : i32
    %dma_start3A_414 = tpu.memref_slice %arg7[%dma_start3A_412, %dma_start3A_413] : memref<2x11076xf32, #tpu.memory_space<vmem>> -> memref<2x11008xf32, #tpu.memory_space<vmem>>
    %dma_start3A_415 = arith.constant 0 : i32
    %dma_start3A_416 = arith.constant 11008 : i32
    %dma_start3A_417 = tpu.memref_slice %arg4[%add3A_55, %dma_start3A_415, %dma_start3A_416] : memref<128x2x44100xf32, #tpu.memory_space<hbm>> -> memref<1x2x11008xf32, #tpu.memory_space<hbm>>
    %dma_start3A_418 = tpu.memref_squeeze %dma_start3A_417 : memref<1x2x11008xf32, #tpu.memory_space<hbm>> -> memref<2x11008xf32, #tpu.memory_space<hbm>>
    %dma_start3A_419 = arith.constant 0 : i32
    %dma_start3A_420 = arith.constant 11008 : i32
    %dma_start3A_421 = tpu.memref_slice %arg4[%add3A_55, %dma_start3A_419, %dma_start3A_420] : memref<128x2x44100xf32, #tpu.memory_space<hbm>> -> memref<1x2x11008xf32, #tpu.memory_space<hbm>>
    %dma_start3A_422 = tpu.memref_squeeze %dma_start3A_421 : memref<1x2x11008xf32, #tpu.memory_space<hbm>> -> memref<2x11008xf32, #tpu.memory_space<hbm>>
    %dma_start3A_423 = arith.constant 0 : i32
    %dma_start3A_424 = arith.constant 0 : i32
    %dma_start3A_425 = tpu.memref_slice %arg7[%dma_start3A_423, %dma_start3A_424] : memref<2x11076xf32, #tpu.memory_space<vmem>> -> memref<2x11008xf32, #tpu.memory_space<vmem>>
    tpu.enqueue_dma source(%dma_start3A_425 : memref<2x11008xf32, #tpu.memory_space<vmem>>) target(%dma_start3A_422 : memref<2x11008xf32, #tpu.memory_space<hbm>>) target_semaphore(%arg15 : memref<!tpu.dma_semaphore, #tpu.memory_space<semaphore_mem>>)
    %dma_wait3A_426 = arith.constant 0 : i32
    %dma_wait3A_427 = arith.constant 0 : i32
    %dma_wait3A_428 = tpu.memref_slice %arg7[%dma_wait3A_426, %dma_wait3A_427] : memref<2x11076xf32, #tpu.memory_space<vmem>> -> memref<2x11008xf32, #tpu.memory_space<vmem>>
    %dma_wait3A_429 = arith.constant 0 : i32
    %dma_wait3A_430 = arith.constant 11008 : i32
    %dma_wait3A_431 = tpu.memref_slice %arg4[%add3A_55, %dma_wait3A_429, %dma_wait3A_430] : memref<128x2x44100xf32, #tpu.memory_space<hbm>> -> memref<1x2x11008xf32, #tpu.memory_space<hbm>>
    %dma_wait3A_432 = tpu.memref_squeeze %dma_wait3A_431 : memref<1x2x11008xf32, #tpu.memory_space<hbm>> -> memref<2x11008xf32, #tpu.memory_space<hbm>>
    %dma_wait3A_433 = arith.constant 0 : i32
    %dma_wait3A_434 = arith.constant 11008 : i32
    %dma_wait3A_435 = tpu.memref_slice %arg4[%add3A_55, %dma_wait3A_433, %dma_wait3A_434] : memref<128x2x44100xf32, #tpu.memory_space<hbm>> -> memref<1x2x11008xf32, #tpu.memory_space<hbm>>
    %dma_wait3A_436 = tpu.memref_squeeze %dma_wait3A_435 : memref<1x2x11008xf32, #tpu.memory_space<hbm>> -> memref<2x11008xf32, #tpu.memory_space<hbm>>
    %dma_wait3A_437 = arith.constant 0 : i32
    %dma_wait3A_438 = arith.constant 0 : i32
    %dma_wait3A_439 = tpu.memref_slice %arg7[%dma_wait3A_437, %dma_wait3A_438] : memref<2x11076xf32, #tpu.memory_space<vmem>> -> memref<2x11008xf32, #tpu.memory_space<vmem>>
    tpu.wait_dma2 semaphore(%arg15 : memref<!tpu.dma_semaphore, #tpu.memory_space<semaphore_mem>>) src(%dma_wait3A_439 : memref<2x11008xf32, #tpu.memory_space<vmem>>) dst(%dma_wait3A_436 : memref<2x11008xf32, #tpu.memory_space<hbm>>)
    %dma_start3A_440 = arith.constant 0 : i32
    %dma_start3A_441 = arith.constant 0 : i32
    %dma_start3A_442 = tpu.memref_slice %arg7[%dma_start3A_440, %dma_start3A_441] : memref<2x11076xf32, #tpu.memory_space<vmem>> -> memref<2x11008xf32, #tpu.memory_space<vmem>>
    %dma_start3A_443 = arith.constant 0 : i32
    %dma_start3A_444 = arith.constant 11008 : i32
    %dma_start3A_445 = tpu.memref_slice %arg2[%reduce_max3A_35, %dma_start3A_443, %dma_start3A_444] : memref<128x2x44100xf32, #tpu.memory_space<hbm>> -> memref<1x2x11008xf32, #tpu.memory_space<hbm>>
    %dma_start3A_446 = tpu.memref_squeeze %dma_start3A_445 : memref<1x2x11008xf32, #tpu.memory_space<hbm>> -> memref<2x11008xf32, #tpu.memory_space<hbm>>
    %dma_start3A_447 = arith.constant 0 : i32
    %dma_start3A_448 = arith.constant 0 : i32
    %dma_start3A_449 = tpu.memref_slice %arg7[%dma_start3A_447, %dma_start3A_448] : memref<2x11076xf32, #tpu.memory_space<vmem>> -> memref<2x11008xf32, #tpu.memory_space<vmem>>
    %dma_start3A_450 = arith.constant 0 : i32
    %dma_start3A_451 = arith.constant 11008 : i32
    %dma_start3A_452 = tpu.memref_slice %arg2[%reduce_max3A_35, %dma_start3A_450, %dma_start3A_451] : memref<128x2x44100xf32, #tpu.memory_space<hbm>> -> memref<1x2x11008xf32, #tpu.memory_space<hbm>>
    %dma_start3A_453 = tpu.memref_squeeze %dma_start3A_452 : memref<1x2x11008xf32, #tpu.memory_space<hbm>> -> memref<2x11008xf32, #tpu.memory_space<hbm>>
    tpu.enqueue_dma source(%dma_start3A_453 : memref<2x11008xf32, #tpu.memory_space<hbm>>) target(%dma_start3A_449 : memref<2x11008xf32, #tpu.memory_space<vmem>>) target_semaphore(%arg11 : memref<!tpu.dma_semaphore, #tpu.memory_space<semaphore_mem>>)
    %dma_wait3A_454 = arith.constant 0 : i32
    %dma_wait3A_455 = arith.constant 0 : i32
    %dma_wait3A_456 = tpu.memref_slice %arg8[%dma_wait3A_454, %dma_wait3A_455] : memref<2x11076xf32, #tpu.memory_space<vmem>> -> memref<2x11008xf32, #tpu.memory_space<vmem>>
    %dma_wait3A_457 = arith.constant 0 : i32
    %dma_wait3A_458 = arith.constant 22016 : i32
    %dma_wait3A_459 = tpu.memref_slice %arg2[%reduce_max3A_23, %dma_wait3A_457, %dma_wait3A_458] : memref<128x2x44100xf32, #tpu.memory_space<hbm>> -> memref<1x2x11008xf32, #tpu.memory_space<hbm>>
    %dma_wait3A_460 = tpu.memref_squeeze %dma_wait3A_459 : memref<1x2x11008xf32, #tpu.memory_space<hbm>> -> memref<2x11008xf32, #tpu.memory_space<hbm>>
    %dma_wait3A_461 = arith.constant 0 : i32
    %dma_wait3A_462 = arith.constant 0 : i32
    %dma_wait3A_463 = tpu.memref_slice %arg8[%dma_wait3A_461, %dma_wait3A_462] : memref<2x11076xf32, #tpu.memory_space<vmem>> -> memref<2x11008xf32, #tpu.memory_space<vmem>>
    %dma_wait3A_464 = arith.constant 0 : i32
    %dma_wait3A_465 = arith.constant 22016 : i32
    %dma_wait3A_466 = tpu.memref_slice %arg2[%reduce_max3A_23, %dma_wait3A_464, %dma_wait3A_465] : memref<128x2x44100xf32, #tpu.memory_space<hbm>> -> memref<1x2x11008xf32, #tpu.memory_space<hbm>>
    %dma_wait3A_467 = tpu.memref_squeeze %dma_wait3A_466 : memref<1x2x11008xf32, #tpu.memory_space<hbm>> -> memref<2x11008xf32, #tpu.memory_space<hbm>>
    tpu.wait_dma2 semaphore(%arg12 : memref<!tpu.dma_semaphore, #tpu.memory_space<semaphore_mem>>) src(%dma_wait3A_467 : memref<2x11008xf32, #tpu.memory_space<hbm>>) dst(%dma_wait3A_463 : memref<2x11008xf32, #tpu.memory_space<vmem>>)
    %dma_start3A_468 = arith.constant 0 : i32
    %dma_start3A_469 = arith.constant 0 : i32
    %dma_start3A_470 = tpu.memref_slice %arg8[%dma_start3A_468, %dma_start3A_469] : memref<2x11076xf32, #tpu.memory_space<vmem>> -> memref<2x11008xf32, #tpu.memory_space<vmem>>
    %dma_start3A_471 = arith.constant 0 : i32
    %dma_start3A_472 = arith.constant 22016 : i32
    %dma_start3A_473 = tpu.memref_slice %arg4[%add3A_55, %dma_start3A_471, %dma_start3A_472] : memref<128x2x44100xf32, #tpu.memory_space<hbm>> -> memref<1x2x11008xf32, #tpu.memory_space<hbm>>
    %dma_start3A_474 = tpu.memref_squeeze %dma_start3A_473 : memref<1x2x11008xf32, #tpu.memory_space<hbm>> -> memref<2x11008xf32, #tpu.memory_space<hbm>>
    %dma_start3A_475 = arith.constant 0 : i32
    %dma_start3A_476 = arith.constant 22016 : i32
    %dma_start3A_477 = tpu.memref_slice %arg4[%add3A_55, %dma_start3A_475, %dma_start3A_476] : memref<128x2x44100xf32, #tpu.memory_space<hbm>> -> memref<1x2x11008xf32, #tpu.memory_space<hbm>>
    %dma_start3A_478 = tpu.memref_squeeze %dma_start3A_477 : memref<1x2x11008xf32, #tpu.memory_space<hbm>> -> memref<2x11008xf32, #tpu.memory_space<hbm>>
    %dma_start3A_479 = arith.constant 0 : i32
    %dma_start3A_480 = arith.constant 0 : i32
    %dma_start3A_481 = tpu.memref_slice %arg8[%dma_start3A_479, %dma_start3A_480] : memref<2x11076xf32, #tpu.memory_space<vmem>> -> memref<2x11008xf32, #tpu.memory_space<vmem>>
    tpu.enqueue_dma source(%dma_start3A_481 : memref<2x11008xf32, #tpu.memory_space<vmem>>) target(%dma_start3A_478 : memref<2x11008xf32, #tpu.memory_space<hbm>>) target_semaphore(%arg16 : memref<!tpu.dma_semaphore, #tpu.memory_space<semaphore_mem>>)
    %dma_wait3A_482 = arith.constant 0 : i32
    %dma_wait3A_483 = arith.constant 0 : i32
    %dma_wait3A_484 = tpu.memref_slice %arg8[%dma_wait3A_482, %dma_wait3A_483] : memref<2x11076xf32, #tpu.memory_space<vmem>> -> memref<2x11008xf32, #tpu.memory_space<vmem>>
    %dma_wait3A_485 = arith.constant 0 : i32
    %dma_wait3A_486 = arith.constant 22016 : i32
    %dma_wait3A_487 = tpu.memref_slice %arg4[%add3A_55, %dma_wait3A_485, %dma_wait3A_486] : memref<128x2x44100xf32, #tpu.memory_space<hbm>> -> memref<1x2x11008xf32, #tpu.memory_space<hbm>>
    %dma_wait3A_488 = tpu.memref_squeeze %dma_wait3A_487 : memref<1x2x11008xf32, #tpu.memory_space<hbm>> -> memref<2x11008xf32, #tpu.memory_space<hbm>>
    %dma_wait3A_489 = arith.constant 0 : i32
    %dma_wait3A_490 = arith.constant 22016 : i32
    %dma_wait3A_491 = tpu.memref_slice %arg4[%add3A_55, %dma_wait3A_489, %dma_wait3A_490] : memref<128x2x44100xf32, #tpu.memory_space<hbm>> -> memref<1x2x11008xf32, #tpu.memory_space<hbm>>
    %dma_wait3A_492 = tpu.memref_squeeze %dma_wait3A_491 : memref<1x2x11008xf32, #tpu.memory_space<hbm>> -> memref<2x11008xf32, #tpu.memory_space<hbm>>
    %dma_wait3A_493 = arith.constant 0 : i32
    %dma_wait3A_494 = arith.constant 0 : i32
    %dma_wait3A_495 = tpu.memref_slice %arg8[%dma_wait3A_493, %dma_wait3A_494] : memref<2x11076xf32, #tpu.memory_space<vmem>> -> memref<2x11008xf32, #tpu.memory_space<vmem>>
    tpu.wait_dma2 semaphore(%arg16 : memref<!tpu.dma_semaphore, #tpu.memory_space<semaphore_mem>>) src(%dma_wait3A_495 : memref<2x11008xf32, #tpu.memory_space<vmem>>) dst(%dma_wait3A_492 : memref<2x11008xf32, #tpu.memory_space<hbm>>)
    %dma_start3A_496 = arith.constant 0 : i32
    %dma_start3A_497 = arith.constant 0 : i32
    %dma_start3A_498 = tpu.memref_slice %arg8[%dma_start3A_496, %dma_start3A_497] : memref<2x11076xf32, #tpu.memory_space<vmem>> -> memref<2x11008xf32, #tpu.memory_space<vmem>>
    %dma_start3A_499 = arith.constant 0 : i32
    %dma_start3A_500 = arith.constant 22016 : i32
    %dma_start3A_501 = tpu.memref_slice %arg2[%reduce_max3A_35, %dma_start3A_499, %dma_start3A_500] : memref<128x2x44100xf32, #tpu.memory_space<hbm>> -> memref<1x2x11008xf32, #tpu.memory_space<hbm>>
    %dma_start3A_502 = tpu.memref_squeeze %dma_start3A_501 : memref<1x2x11008xf32, #tpu.memory_space<hbm>> -> memref<2x11008xf32, #tpu.memory_space<hbm>>
    %dma_start3A_503 = arith.constant 0 : i32
    %dma_start3A_504 = arith.constant 0 : i32
    %dma_start3A_505 = tpu.memref_slice %arg8[%dma_start3A_503, %dma_start3A_504] : memref<2x11076xf32, #tpu.memory_space<vmem>> -> memref<2x11008xf32, #tpu.memory_space<vmem>>
    %dma_start3A_506 = arith.constant 0 : i32
    %dma_start3A_507 = arith.constant 22016 : i32
    %dma_start3A_508 = tpu.memref_slice %arg2[%reduce_max3A_35, %dma_start3A_506, %dma_start3A_507] : memref<128x2x44100xf32, #tpu.memory_space<hbm>> -> memref<1x2x11008xf32, #tpu.memory_space<hbm>>
    %dma_start3A_509 = tpu.memref_squeeze %dma_start3A_508 : memref<1x2x11008xf32, #tpu.memory_space<hbm>> -> memref<2x11008xf32, #tpu.memory_space<hbm>>
    tpu.enqueue_dma source(%dma_start3A_509 : memref<2x11008xf32, #tpu.memory_space<hbm>>) target(%dma_start3A_505 : memref<2x11008xf32, #tpu.memory_space<vmem>>) target_semaphore(%arg12 : memref<!tpu.dma_semaphore, #tpu.memory_space<semaphore_mem>>)
    %dma_wait3A_510 = arith.constant 0 : i32
    %dma_wait3A_511 = arith.constant 0 : i32
    %dma_wait3A_512 = tpu.memref_slice %arg9[%dma_wait3A_510, %dma_wait3A_511] : memref<2x11076xf32, #tpu.memory_space<vmem>> -> memref<2x11076xf32, #tpu.memory_space<vmem>>
    %dma_wait3A_513 = arith.constant 0 : i32
    %dma_wait3A_514 = arith.constant 33024 : i32
    %dma_wait3A_515 = tpu.memref_slice %arg2[%reduce_max3A_23, %dma_wait3A_513, %dma_wait3A_514] : memref<128x2x44100xf32, #tpu.memory_space<hbm>> -> memref<1x2x11076xf32, #tpu.memory_space<hbm>>
    %dma_wait3A_516 = tpu.memref_squeeze %dma_wait3A_515 : memref<1x2x11076xf32, #tpu.memory_space<hbm>> -> memref<2x11076xf32, #tpu.memory_space<hbm>>
    %dma_wait3A_517 = arith.constant 0 : i32
    %dma_wait3A_518 = arith.constant 0 : i32
    %dma_wait3A_519 = tpu.memref_slice %arg9[%dma_wait3A_517, %dma_wait3A_518] : memref<2x11076xf32, #tpu.memory_space<vmem>> -> memref<2x11076xf32, #tpu.memory_space<vmem>>
    %dma_wait3A_520 = arith.constant 0 : i32
    %dma_wait3A_521 = arith.constant 33024 : i32
    %dma_wait3A_522 = tpu.memref_slice %arg2[%reduce_max3A_23, %dma_wait3A_520, %dma_wait3A_521] : memref<128x2x44100xf32, #tpu.memory_space<hbm>> -> memref<1x2x11076xf32, #tpu.memory_space<hbm>>
    %dma_wait3A_523 = tpu.memref_squeeze %dma_wait3A_522 : memref<1x2x11076xf32, #tpu.memory_space<hbm>> -> memref<2x11076xf32, #tpu.memory_space<hbm>>
    tpu.wait_dma2 semaphore(%arg13 : memref<!tpu.dma_semaphore, #tpu.memory_space<semaphore_mem>>) src(%dma_wait3A_523 : memref<2x11076xf32, #tpu.memory_space<hbm>>) dst(%dma_wait3A_519 : memref<2x11076xf32, #tpu.memory_space<vmem>>)
    %dma_start3A_524 = arith.constant 0 : i32
    %dma_start3A_525 = arith.constant 0 : i32
    %dma_start3A_526 = tpu.memref_slice %arg9[%dma_start3A_524, %dma_start3A_525] : memref<2x11076xf32, #tpu.memory_space<vmem>> -> memref<2x11076xf32, #tpu.memory_space<vmem>>
    %dma_start3A_527 = arith.constant 0 : i32
    %dma_start3A_528 = arith.constant 33024 : i32
    %dma_start3A_529 = tpu.memref_slice %arg4[%add3A_55, %dma_start3A_527, %dma_start3A_528] : memref<128x2x44100xf32, #tpu.memory_space<hbm>> -> memref<1x2x11076xf32, #tpu.memory_space<hbm>>
    %dma_start3A_530 = tpu.memref_squeeze %dma_start3A_529 : memref<1x2x11076xf32, #tpu.memory_space<hbm>> -> memref<2x11076xf32, #tpu.memory_space<hbm>>
    %dma_start3A_531 = arith.constant 0 : i32
    %dma_start3A_532 = arith.constant 33024 : i32
    %dma_start3A_533 = tpu.memref_slice %arg4[%add3A_55, %dma_start3A_531, %dma_start3A_532] : memref<128x2x44100xf32, #tpu.memory_space<hbm>> -> memref<1x2x11076xf32, #tpu.memory_space<hbm>>
    %dma_start3A_534 = tpu.memref_squeeze %dma_start3A_533 : memref<1x2x11076xf32, #tpu.memory_space<hbm>> -> memref<2x11076xf32, #tpu.memory_space<hbm>>
    %dma_start3A_535 = arith.constant 0 : i32
    %dma_start3A_536 = arith.constant 0 : i32
    %dma_start3A_537 = tpu.memref_slice %arg9[%dma_start3A_535, %dma_start3A_536] : memref<2x11076xf32, #tpu.memory_space<vmem>> -> memref<2x11076xf32, #tpu.memory_space<vmem>>
    tpu.enqueue_dma source(%dma_start3A_537 : memref<2x11076xf32, #tpu.memory_space<vmem>>) target(%dma_start3A_534 : memref<2x11076xf32, #tpu.memory_space<hbm>>) target_semaphore(%arg17 : memref<!tpu.dma_semaphore, #tpu.memory_space<semaphore_mem>>)
    %dma_wait3A_538 = arith.constant 0 : i32
    %dma_wait3A_539 = arith.constant 0 : i32
    %dma_wait3A_540 = tpu.memref_slice %arg9[%dma_wait3A_538, %dma_wait3A_539] : memref<2x11076xf32, #tpu.memory_space<vmem>> -> memref<2x11076xf32, #tpu.memory_space<vmem>>
    %dma_wait3A_541 = arith.constant 0 : i32
    %dma_wait3A_542 = arith.constant 33024 : i32
    %dma_wait3A_543 = tpu.memref_slice %arg4[%add3A_55, %dma_wait3A_541, %dma_wait3A_542] : memref<128x2x44100xf32, #tpu.memory_space<hbm>> -> memref<1x2x11076xf32, #tpu.memory_space<hbm>>
    %dma_wait3A_544 = tpu.memref_squeeze %dma_wait3A_543 : memref<1x2x11076xf32, #tpu.memory_space<hbm>> -> memref<2x11076xf32, #tpu.memory_space<hbm>>
    %dma_wait3A_545 = arith.constant 0 : i32
    %dma_wait3A_546 = arith.constant 33024 : i32
    %dma_wait3A_547 = tpu.memref_slice %arg4[%add3A_55, %dma_wait3A_545, %dma_wait3A_546] : memref<128x2x44100xf32, #tpu.memory_space<hbm>> -> memref<1x2x11076xf32, #tpu.memory_space<hbm>>
    %dma_wait3A_548 = tpu.memref_squeeze %dma_wait3A_547 : memref<1x2x11076xf32, #tpu.memory_space<hbm>> -> memref<2x11076xf32, #tpu.memory_space<hbm>>
    %dma_wait3A_549 = arith.constant 0 : i32
    %dma_wait3A_550 = arith.constant 0 : i32
    %dma_wait3A_551 = tpu.memref_slice %arg9[%dma_wait3A_549, %dma_wait3A_550] : memref<2x11076xf32, #tpu.memory_space<vmem>> -> memref<2x11076xf32, #tpu.memory_space<vmem>>
    tpu.wait_dma2 semaphore(%arg17 : memref<!tpu.dma_semaphore, #tpu.memory_space<semaphore_mem>>) src(%dma_wait3A_551 : memref<2x11076xf32, #tpu.memory_space<vmem>>) dst(%dma_wait3A_548 : memref<2x11076xf32, #tpu.memory_space<hbm>>)
    %dma_start3A_552 = arith.constant 0 : i32
    %dma_start3A_553 = arith.constant 0 : i32
    %dma_start3A_554 = tpu.memref_slice %arg9[%dma_start3A_552, %dma_start3A_553] : memref<2x11076xf32, #tpu.memory_space<vmem>> -> memref<2x11076xf32, #tpu.memory_space<vmem>>
    %dma_start3A_555 = arith.constant 0 : i32
    %dma_start3A_556 = arith.constant 33024 : i32
    %dma_start3A_557 = tpu.memref_slice %arg2[%reduce_max3A_35, %dma_start3A_555, %dma_start3A_556] : memref<128x2x44100xf32, #tpu.memory_space<hbm>> -> memref<1x2x11076xf32, #tpu.memory_space<hbm>>
    %dma_start3A_558 = tpu.memref_squeeze %dma_start3A_557 : memref<1x2x11076xf32, #tpu.memory_space<hbm>> -> memref<2x11076xf32, #tpu.memory_space<hbm>>
    %dma_start3A_559 = arith.constant 0 : i32
    %dma_start3A_560 = arith.constant 0 : i32
    %dma_start3A_561 = tpu.memref_slice %arg9[%dma_start3A_559, %dma_start3A_560] : memref<2x11076xf32, #tpu.memory_space<vmem>> -> memref<2x11076xf32, #tpu.memory_space<vmem>>
    %dma_start3A_562 = arith.constant 0 : i32
    %dma_start3A_563 = arith.constant 33024 : i32
    %dma_start3A_564 = tpu.memref_slice %arg2[%reduce_max3A_35, %dma_start3A_562, %dma_start3A_563] : memref<128x2x44100xf32, #tpu.memory_space<hbm>> -> memref<1x2x11076xf32, #tpu.memory_space<hbm>>
    %dma_start3A_565 = tpu.memref_squeeze %dma_start3A_564 : memref<1x2x11076xf32, #tpu.memory_space<hbm>> -> memref<2x11076xf32, #tpu.memory_space<hbm>>
    tpu.enqueue_dma source(%dma_start3A_565 : memref<2x11076xf32, #tpu.memory_space<hbm>>) target(%dma_start3A_561 : memref<2x11076xf32, #tpu.memory_space<vmem>>) target_semaphore(%arg13 : memref<!tpu.dma_semaphore, #tpu.memory_space<semaphore_mem>>)
    %dma_wait3A_566 = arith.constant 0 : i32
    %dma_wait3A_567 = arith.constant 0 : i32
    %dma_wait3A_568 = tpu.memref_slice %arg6[%dma_wait3A_566, %dma_wait3A_567] : memref<2x11076xf32, #tpu.memory_space<vmem>> -> memref<2x11008xf32, #tpu.memory_space<vmem>>
    %dma_wait3A_569 = arith.constant 0 : i32
    %dma_wait3A_570 = arith.constant 0 : i32
    %dma_wait3A_571 = tpu.memref_slice %arg2[%reduce_max3A_35, %dma_wait3A_569, %dma_wait3A_570] : memref<128x2x44100xf32, #tpu.memory_space<hbm>> -> memref<1x2x11008xf32, #tpu.memory_space<hbm>>
    %dma_wait3A_572 = tpu.memref_squeeze %dma_wait3A_571 : memref<1x2x11008xf32, #tpu.memory_space<hbm>> -> memref<2x11008xf32, #tpu.memory_space<hbm>>
    %dma_wait3A_573 = arith.constant 0 : i32
    %dma_wait3A_574 = arith.constant 0 : i32
    %dma_wait3A_575 = tpu.memref_slice %arg6[%dma_wait3A_573, %dma_wait3A_574] : memref<2x11076xf32, #tpu.memory_space<vmem>> -> memref<2x11008xf32, #tpu.memory_space<vmem>>
    %dma_wait3A_576 = arith.constant 0 : i32
    %dma_wait3A_577 = arith.constant 0 : i32
    %dma_wait3A_578 = tpu.memref_slice %arg2[%reduce_max3A_35, %dma_wait3A_576, %dma_wait3A_577] : memref<128x2x44100xf32, #tpu.memory_space<hbm>> -> memref<1x2x11008xf32, #tpu.memory_space<hbm>>
    %dma_wait3A_579 = tpu.memref_squeeze %dma_wait3A_578 : memref<1x2x11008xf32, #tpu.memory_space<hbm>> -> memref<2x11008xf32, #tpu.memory_space<hbm>>
    tpu.wait_dma2 semaphore(%arg10 : memref<!tpu.dma_semaphore, #tpu.memory_space<semaphore_mem>>) src(%dma_wait3A_579 : memref<2x11008xf32, #tpu.memory_space<hbm>>) dst(%dma_wait3A_575 : memref<2x11008xf32, #tpu.memory_space<vmem>>)
    %dma_start3A_580 = arith.constant 0 : i32
    %dma_start3A_581 = arith.constant 0 : i32
    %dma_start3A_582 = tpu.memref_slice %arg6[%dma_start3A_580, %dma_start3A_581] : memref<2x11076xf32, #tpu.memory_space<vmem>> -> memref<2x11008xf32, #tpu.memory_space<vmem>>
    %dma_start3A_583 = arith.constant 0 : i32
    %dma_start3A_584 = arith.constant 0 : i32
    %dma_start3A_585 = tpu.memref_slice %arg4[%add3A_59, %dma_start3A_583, %dma_start3A_584] : memref<128x2x44100xf32, #tpu.memory_space<hbm>> -> memref<1x2x11008xf32, #tpu.memory_space<hbm>>
    %dma_start3A_586 = tpu.memref_squeeze %dma_start3A_585 : memref<1x2x11008xf32, #tpu.memory_space<hbm>> -> memref<2x11008xf32, #tpu.memory_space<hbm>>
    %dma_start3A_587 = arith.constant 0 : i32
    %dma_start3A_588 = arith.constant 0 : i32
    %dma_start3A_589 = tpu.memref_slice %arg4[%add3A_59, %dma_start3A_587, %dma_start3A_588] : memref<128x2x44100xf32, #tpu.memory_space<hbm>> -> memref<1x2x11008xf32, #tpu.memory_space<hbm>>
    %dma_start3A_590 = tpu.memref_squeeze %dma_start3A_589 : memref<1x2x11008xf32, #tpu.memory_space<hbm>> -> memref<2x11008xf32, #tpu.memory_space<hbm>>
    %dma_start3A_591 = arith.constant 0 : i32
    %dma_start3A_592 = arith.constant 0 : i32
    %dma_start3A_593 = tpu.memref_slice %arg6[%dma_start3A_591, %dma_start3A_592] : memref<2x11076xf32, #tpu.memory_space<vmem>> -> memref<2x11008xf32, #tpu.memory_space<vmem>>
    tpu.enqueue_dma source(%dma_start3A_593 : memref<2x11008xf32, #tpu.memory_space<vmem>>) target(%dma_start3A_590 : memref<2x11008xf32, #tpu.memory_space<hbm>>) target_semaphore(%arg14 : memref<!tpu.dma_semaphore, #tpu.memory_space<semaphore_mem>>)
    %dma_wait3A_594 = arith.constant 0 : i32
    %dma_wait3A_595 = arith.constant 0 : i32
    %dma_wait3A_596 = tpu.memref_slice %arg6[%dma_wait3A_594, %dma_wait3A_595] : memref<2x11076xf32, #tpu.memory_space<vmem>> -> memref<2x11008xf32, #tpu.memory_space<vmem>>
    %dma_wait3A_597 = arith.constant 0 : i32
    %dma_wait3A_598 = arith.constant 0 : i32
    %dma_wait3A_599 = tpu.memref_slice %arg4[%add3A_59, %dma_wait3A_597, %dma_wait3A_598] : memref<128x2x44100xf32, #tpu.memory_space<hbm>> -> memref<1x2x11008xf32, #tpu.memory_space<hbm>>
    %dma_wait3A_600 = tpu.memref_squeeze %dma_wait3A_599 : memref<1x2x11008xf32, #tpu.memory_space<hbm>> -> memref<2x11008xf32, #tpu.memory_space<hbm>>
    %dma_wait3A_601 = arith.constant 0 : i32
    %dma_wait3A_602 = arith.constant 0 : i32
    %dma_wait3A_603 = tpu.memref_slice %arg4[%add3A_59, %dma_wait3A_601, %dma_wait3A_602] : memref<128x2x44100xf32, #tpu.memory_space<hbm>> -> memref<1x2x11008xf32, #tpu.memory_space<hbm>>
    %dma_wait3A_604 = tpu.memref_squeeze %dma_wait3A_603 : memref<1x2x11008xf32, #tpu.memory_space<hbm>> -> memref<2x11008xf32, #tpu.memory_space<hbm>>
    %dma_wait3A_605 = arith.constant 0 : i32
    %dma_wait3A_606 = arith.constant 0 : i32
    %dma_wait3A_607 = tpu.memref_slice %arg6[%dma_wait3A_605, %dma_wait3A_606] : memref<2x11076xf32, #tpu.memory_space<vmem>> -> memref<2x11008xf32, #tpu.memory_space<vmem>>
    tpu.wait_dma2 semaphore(%arg14 : memref<!tpu.dma_semaphore, #tpu.memory_space<semaphore_mem>>) src(%dma_wait3A_607 : memref<2x11008xf32, #tpu.memory_space<vmem>>) dst(%dma_wait3A_604 : memref<2x11008xf32, #tpu.memory_space<hbm>>)
    %dma_start3A_608 = arith.constant 0 : i32
    %dma_start3A_609 = arith.constant 0 : i32
    %dma_start3A_610 = tpu.memref_slice %arg6[%dma_start3A_608, %dma_start3A_609] : memref<2x11076xf32, #tpu.memory_space<vmem>> -> memref<2x11008xf32, #tpu.memory_space<vmem>>
    %dma_start3A_611 = arith.constant 0 : i32
    %dma_start3A_612 = arith.constant 0 : i32
    %dma_start3A_613 = tpu.memref_slice %arg2[%reduce_max3A_47, %dma_start3A_611, %dma_start3A_612] : memref<128x2x44100xf32, #tpu.memory_space<hbm>> -> memref<1x2x11008xf32, #tpu.memory_space<hbm>>
    %dma_start3A_614 = tpu.memref_squeeze %dma_start3A_613 : memref<1x2x11008xf32, #tpu.memory_space<hbm>> -> memref<2x11008xf32, #tpu.memory_space<hbm>>
    %dma_start3A_615 = arith.constant 0 : i32
    %dma_start3A_616 = arith.constant 0 : i32
    %dma_start3A_617 = tpu.memref_slice %arg6[%dma_start3A_615, %dma_start3A_616] : memref<2x11076xf32, #tpu.memory_space<vmem>> -> memref<2x11008xf32, #tpu.memory_space<vmem>>
    %dma_start3A_618 = arith.constant 0 : i32
    %dma_start3A_619 = arith.constant 0 : i32
    %dma_start3A_620 = tpu.memref_slice %arg2[%reduce_max3A_47, %dma_start3A_618, %dma_start3A_619] : memref<128x2x44100xf32, #tpu.memory_space<hbm>> -> memref<1x2x11008xf32, #tpu.memory_space<hbm>>
    %dma_start3A_621 = tpu.memref_squeeze %dma_start3A_620 : memref<1x2x11008xf32, #tpu.memory_space<hbm>> -> memref<2x11008xf32, #tpu.memory_space<hbm>>
    tpu.enqueue_dma source(%dma_start3A_621 : memref<2x11008xf32, #tpu.memory_space<hbm>>) target(%dma_start3A_617 : memref<2x11008xf32, #tpu.memory_space<vmem>>) target_semaphore(%arg10 : memref<!tpu.dma_semaphore, #tpu.memory_space<semaphore_mem>>)
    %dma_wait3A_622 = arith.constant 0 : i32
    %dma_wait3A_623 = arith.constant 0 : i32
    %dma_wait3A_624 = tpu.memref_slice %arg7[%dma_wait3A_622, %dma_wait3A_623] : memref<2x11076xf32, #tpu.memory_space<vmem>> -> memref<2x11008xf32, #tpu.memory_space<vmem>>
    %dma_wait3A_625 = arith.constant 0 : i32
    %dma_wait3A_626 = arith.constant 11008 : i32
    %dma_wait3A_627 = tpu.memref_slice %arg2[%reduce_max3A_35, %dma_wait3A_625, %dma_wait3A_626] : memref<128x2x44100xf32, #tpu.memory_space<hbm>> -> memref<1x2x11008xf32, #tpu.memory_space<hbm>>
    %dma_wait3A_628 = tpu.memref_squeeze %dma_wait3A_627 : memref<1x2x11008xf32, #tpu.memory_space<hbm>> -> memref<2x11008xf32, #tpu.memory_space<hbm>>
    %dma_wait3A_629 = arith.constant 0 : i32
    %dma_wait3A_630 = arith.constant 0 : i32
    %dma_wait3A_631 = tpu.memref_slice %arg7[%dma_wait3A_629, %dma_wait3A_630] : memref<2x11076xf32, #tpu.memory_space<vmem>> -> memref<2x11008xf32, #tpu.memory_space<vmem>>
    %dma_wait3A_632 = arith.constant 0 : i32
    %dma_wait3A_633 = arith.constant 11008 : i32
    %dma_wait3A_634 = tpu.memref_slice %arg2[%reduce_max3A_35, %dma_wait3A_632, %dma_wait3A_633] : memref<128x2x44100xf32, #tpu.memory_space<hbm>> -> memref<1x2x11008xf32, #tpu.memory_space<hbm>>
    %dma_wait3A_635 = tpu.memref_squeeze %dma_wait3A_634 : memref<1x2x11008xf32, #tpu.memory_space<hbm>> -> memref<2x11008xf32, #tpu.memory_space<hbm>>
    tpu.wait_dma2 semaphore(%arg11 : memref<!tpu.dma_semaphore, #tpu.memory_space<semaphore_mem>>) src(%dma_wait3A_635 : memref<2x11008xf32, #tpu.memory_space<hbm>>) dst(%dma_wait3A_631 : memref<2x11008xf32, #tpu.memory_space<vmem>>)
    %dma_start3A_636 = arith.constant 0 : i32
    %dma_start3A_637 = arith.constant 0 : i32
    %dma_start3A_638 = tpu.memref_slice %arg7[%dma_start3A_636, %dma_start3A_637] : memref<2x11076xf32, #tpu.memory_space<vmem>> -> memref<2x11008xf32, #tpu.memory_space<vmem>>
    %dma_start3A_639 = arith.constant 0 : i32
    %dma_start3A_640 = arith.constant 11008 : i32
    %dma_start3A_641 = tpu.memref_slice %arg4[%add3A_59, %dma_start3A_639, %dma_start3A_640] : memref<128x2x44100xf32, #tpu.memory_space<hbm>> -> memref<1x2x11008xf32, #tpu.memory_space<hbm>>
    %dma_start3A_642 = tpu.memref_squeeze %dma_start3A_641 : memref<1x2x11008xf32, #tpu.memory_space<hbm>> -> memref<2x11008xf32, #tpu.memory_space<hbm>>
    %dma_start3A_643 = arith.constant 0 : i32
    %dma_start3A_644 = arith.constant 11008 : i32
    %dma_start3A_645 = tpu.memref_slice %arg4[%add3A_59, %dma_start3A_643, %dma_start3A_644] : memref<128x2x44100xf32, #tpu.memory_space<hbm>> -> memref<1x2x11008xf32, #tpu.memory_space<hbm>>
    %dma_start3A_646 = tpu.memref_squeeze %dma_start3A_645 : memref<1x2x11008xf32, #tpu.memory_space<hbm>> -> memref<2x11008xf32, #tpu.memory_space<hbm>>
    %dma_start3A_647 = arith.constant 0 : i32
    %dma_start3A_648 = arith.constant 0 : i32
    %dma_start3A_649 = tpu.memref_slice %arg7[%dma_start3A_647, %dma_start3A_648] : memref<2x11076xf32, #tpu.memory_space<vmem>> -> memref<2x11008xf32, #tpu.memory_space<vmem>>
    tpu.enqueue_dma source(%dma_start3A_649 : memref<2x11008xf32, #tpu.memory_space<vmem>>) target(%dma_start3A_646 : memref<2x11008xf32, #tpu.memory_space<hbm>>) target_semaphore(%arg15 : memref<!tpu.dma_semaphore, #tpu.memory_space<semaphore_mem>>)
    %dma_wait3A_650 = arith.constant 0 : i32
    %dma_wait3A_651 = arith.constant 0 : i32
    %dma_wait3A_652 = tpu.memref_slice %arg7[%dma_wait3A_650, %dma_wait3A_651] : memref<2x11076xf32, #tpu.memory_space<vmem>> -> memref<2x11008xf32, #tpu.memory_space<vmem>>
    %dma_wait3A_653 = arith.constant 0 : i32
    %dma_wait3A_654 = arith.constant 11008 : i32
    %dma_wait3A_655 = tpu.memref_slice %arg4[%add3A_59, %dma_wait3A_653, %dma_wait3A_654] : memref<128x2x44100xf32, #tpu.memory_space<hbm>> -> memref<1x2x11008xf32, #tpu.memory_space<hbm>>
    %dma_wait3A_656 = tpu.memref_squeeze %dma_wait3A_655 : memref<1x2x11008xf32, #tpu.memory_space<hbm>> -> memref<2x11008xf32, #tpu.memory_space<hbm>>
    %dma_wait3A_657 = arith.constant 0 : i32
    %dma_wait3A_658 = arith.constant 11008 : i32
    %dma_wait3A_659 = tpu.memref_slice %arg4[%add3A_59, %dma_wait3A_657, %dma_wait3A_658] : memref<128x2x44100xf32, #tpu.memory_space<hbm>> -> memref<1x2x11008xf32, #tpu.memory_space<hbm>>
    %dma_wait3A_660 = tpu.memref_squeeze %dma_wait3A_659 : memref<1x2x11008xf32, #tpu.memory_space<hbm>> -> memref<2x11008xf32, #tpu.memory_space<hbm>>
    %dma_wait3A_661 = arith.constant 0 : i32
    %dma_wait3A_662 = arith.constant 0 : i32
    %dma_wait3A_663 = tpu.memref_slice %arg7[%dma_wait3A_661, %dma_wait3A_662] : memref<2x11076xf32, #tpu.memory_space<vmem>> -> memref<2x11008xf32, #tpu.memory_space<vmem>>
    tpu.wait_dma2 semaphore(%arg15 : memref<!tpu.dma_semaphore, #tpu.memory_space<semaphore_mem>>) src(%dma_wait3A_663 : memref<2x11008xf32, #tpu.memory_space<vmem>>) dst(%dma_wait3A_660 : memref<2x11008xf32, #tpu.memory_space<hbm>>)
    %dma_start3A_664 = arith.constant 0 : i32
    %dma_start3A_665 = arith.constant 0 : i32
    %dma_start3A_666 = tpu.memref_slice %arg7[%dma_start3A_664, %dma_start3A_665] : memref<2x11076xf32, #tpu.memory_space<vmem>> -> memref<2x11008xf32, #tpu.memory_space<vmem>>
    %dma_start3A_667 = arith.constant 0 : i32
    %dma_start3A_668 = arith.constant 11008 : i32
    %dma_start3A_669 = tpu.memref_slice %arg2[%reduce_max3A_47, %dma_start3A_667, %dma_start3A_668] : memref<128x2x44100xf32, #tpu.memory_space<hbm>> -> memref<1x2x11008xf32, #tpu.memory_space<hbm>>
    %dma_start3A_670 = tpu.memref_squeeze %dma_start3A_669 : memref<1x2x11008xf32, #tpu.memory_space<hbm>> -> memref<2x11008xf32, #tpu.memory_space<hbm>>
    %dma_start3A_671 = arith.constant 0 : i32
    %dma_start3A_672 = arith.constant 0 : i32
    %dma_start3A_673 = tpu.memref_slice %arg7[%dma_start3A_671, %dma_start3A_672] : memref<2x11076xf32, #tpu.memory_space<vmem>> -> memref<2x11008xf32, #tpu.memory_space<vmem>>
    %dma_start3A_674 = arith.constant 0 : i32
    %dma_start3A_675 = arith.constant 11008 : i32
    %dma_start3A_676 = tpu.memref_slice %arg2[%reduce_max3A_47, %dma_start3A_674, %dma_start3A_675] : memref<128x2x44100xf32, #tpu.memory_space<hbm>> -> memref<1x2x11008xf32, #tpu.memory_space<hbm>>
    %dma_start3A_677 = tpu.memref_squeeze %dma_start3A_676 : memref<1x2x11008xf32, #tpu.memory_space<hbm>> -> memref<2x11008xf32, #tpu.memory_space<hbm>>
    tpu.enqueue_dma source(%dma_start3A_677 : memref<2x11008xf32, #tpu.memory_space<hbm>>) target(%dma_start3A_673 : memref<2x11008xf32, #tpu.memory_space<vmem>>) target_semaphore(%arg11 : memref<!tpu.dma_semaphore, #tpu.memory_space<semaphore_mem>>)
    %dma_wait3A_678 = arith.constant 0 : i32
    %dma_wait3A_679 = arith.constant 0 : i32
    %dma_wait3A_680 = tpu.memref_slice %arg8[%dma_wait3A_678, %dma_wait3A_679] : memref<2x11076xf32, #tpu.memory_space<vmem>> -> memref<2x11008xf32, #tpu.memory_space<vmem>>
    %dma_wait3A_681 = arith.constant 0 : i32
    %dma_wait3A_682 = arith.constant 22016 : i32
    %dma_wait3A_683 = tpu.memref_slice %arg2[%reduce_max3A_35, %dma_wait3A_681, %dma_wait3A_682] : memref<128x2x44100xf32, #tpu.memory_space<hbm>> -> memref<1x2x11008xf32, #tpu.memory_space<hbm>>
    %dma_wait3A_684 = tpu.memref_squeeze %dma_wait3A_683 : memref<1x2x11008xf32, #tpu.memory_space<hbm>> -> memref<2x11008xf32, #tpu.memory_space<hbm>>
    %dma_wait3A_685 = arith.constant 0 : i32
    %dma_wait3A_686 = arith.constant 0 : i32
    %dma_wait3A_687 = tpu.memref_slice %arg8[%dma_wait3A_685, %dma_wait3A_686] : memref<2x11076xf32, #tpu.memory_space<vmem>> -> memref<2x11008xf32, #tpu.memory_space<vmem>>
    %dma_wait3A_688 = arith.constant 0 : i32
    %dma_wait3A_689 = arith.constant 22016 : i32
    %dma_wait3A_690 = tpu.memref_slice %arg2[%reduce_max3A_35, %dma_wait3A_688, %dma_wait3A_689] : memref<128x2x44100xf32, #tpu.memory_space<hbm>> -> memref<1x2x11008xf32, #tpu.memory_space<hbm>>
    %dma_wait3A_691 = tpu.memref_squeeze %dma_wait3A_690 : memref<1x2x11008xf32, #tpu.memory_space<hbm>> -> memref<2x11008xf32, #tpu.memory_space<hbm>>
    tpu.wait_dma2 semaphore(%arg12 : memref<!tpu.dma_semaphore, #tpu.memory_space<semaphore_mem>>) src(%dma_wait3A_691 : memref<2x11008xf32, #tpu.memory_space<hbm>>) dst(%dma_wait3A_687 : memref<2x11008xf32, #tpu.memory_space<vmem>>)
    %dma_start3A_692 = arith.constant 0 : i32
    %dma_start3A_693 = arith.constant 0 : i32
    %dma_start3A_694 = tpu.memref_slice %arg8[%dma_start3A_692, %dma_start3A_693] : memref<2x11076xf32, #tpu.memory_space<vmem>> -> memref<2x11008xf32, #tpu.memory_space<vmem>>
    %dma_start3A_695 = arith.constant 0 : i32
    %dma_start3A_696 = arith.constant 22016 : i32
    %dma_start3A_697 = tpu.memref_slice %arg4[%add3A_59, %dma_start3A_695, %dma_start3A_696] : memref<128x2x44100xf32, #tpu.memory_space<hbm>> -> memref<1x2x11008xf32, #tpu.memory_space<hbm>>
    %dma_start3A_698 = tpu.memref_squeeze %dma_start3A_697 : memref<1x2x11008xf32, #tpu.memory_space<hbm>> -> memref<2x11008xf32, #tpu.memory_space<hbm>>
    %dma_start3A_699 = arith.constant 0 : i32
    %dma_start3A_700 = arith.constant 22016 : i32
    %dma_start3A_701 = tpu.memref_slice %arg4[%add3A_59, %dma_start3A_699, %dma_start3A_700] : memref<128x2x44100xf32, #tpu.memory_space<hbm>> -> memref<1x2x11008xf32, #tpu.memory_space<hbm>>
    %dma_start3A_702 = tpu.memref_squeeze %dma_start3A_701 : memref<1x2x11008xf32, #tpu.memory_space<hbm>> -> memref<2x11008xf32, #tpu.memory_space<hbm>>
    %dma_start3A_703 = arith.constant 0 : i32
    %dma_start3A_704 = arith.constant 0 : i32
    %dma_start3A_705 = tpu.memref_slice %arg8[%dma_start3A_703, %dma_start3A_704] : memref<2x11076xf32, #tpu.memory_space<vmem>> -> memref<2x11008xf32, #tpu.memory_space<vmem>>
    tpu.enqueue_dma source(%dma_start3A_705 : memref<2x11008xf32, #tpu.memory_space<vmem>>) target(%dma_start3A_702 : memref<2x11008xf32, #tpu.memory_space<hbm>>) target_semaphore(%arg16 : memref<!tpu.dma_semaphore, #tpu.memory_space<semaphore_mem>>)
    %dma_wait3A_706 = arith.constant 0 : i32
    %dma_wait3A_707 = arith.constant 0 : i32
    %dma_wait3A_708 = tpu.memref_slice %arg8[%dma_wait3A_706, %dma_wait3A_707] : memref<2x11076xf32, #tpu.memory_space<vmem>> -> memref<2x11008xf32, #tpu.memory_space<vmem>>
    %dma_wait3A_709 = arith.constant 0 : i32
    %dma_wait3A_710 = arith.constant 22016 : i32
    %dma_wait3A_711 = tpu.memref_slice %arg4[%add3A_59, %dma_wait3A_709, %dma_wait3A_710] : memref<128x2x44100xf32, #tpu.memory_space<hbm>> -> memref<1x2x11008xf32, #tpu.memory_space<hbm>>
    %dma_wait3A_712 = tpu.memref_squeeze %dma_wait3A_711 : memref<1x2x11008xf32, #tpu.memory_space<hbm>> -> memref<2x11008xf32, #tpu.memory_space<hbm>>
    %dma_wait3A_713 = arith.constant 0 : i32
    %dma_wait3A_714 = arith.constant 22016 : i32
    %dma_wait3A_715 = tpu.memref_slice %arg4[%add3A_59, %dma_wait3A_713, %dma_wait3A_714] : memref<128x2x44100xf32, #tpu.memory_space<hbm>> -> memref<1x2x11008xf32, #tpu.memory_space<hbm>>
    %dma_wait3A_716 = tpu.memref_squeeze %dma_wait3A_715 : memref<1x2x11008xf32, #tpu.memory_space<hbm>> -> memref<2x11008xf32, #tpu.memory_space<hbm>>
    %dma_wait3A_717 = arith.constant 0 : i32
    %dma_wait3A_718 = arith.constant 0 : i32
    %dma_wait3A_719 = tpu.memref_slice %arg8[%dma_wait3A_717, %dma_wait3A_718] : memref<2x11076xf32, #tpu.memory_space<vmem>> -> memref<2x11008xf32, #tpu.memory_space<vmem>>
    tpu.wait_dma2 semaphore(%arg16 : memref<!tpu.dma_semaphore, #tpu.memory_space<semaphore_mem>>) src(%dma_wait3A_719 : memref<2x11008xf32, #tpu.memory_space<vmem>>) dst(%dma_wait3A_716 : memref<2x11008xf32, #tpu.memory_space<hbm>>)
    %dma_start3A_720 = arith.constant 0 : i32
    %dma_start3A_721 = arith.constant 0 : i32
    %dma_start3A_722 = tpu.memref_slice %arg8[%dma_start3A_720, %dma_start3A_721] : memref<2x11076xf32, #tpu.memory_space<vmem>> -> memref<2x11008xf32, #tpu.memory_space<vmem>>
    %dma_start3A_723 = arith.constant 0 : i32
    %dma_start3A_724 = arith.constant 22016 : i32
    %dma_start3A_725 = tpu.memref_slice %arg2[%reduce_max3A_47, %dma_start3A_723, %dma_start3A_724] : memref<128x2x44100xf32, #tpu.memory_space<hbm>> -> memref<1x2x11008xf32, #tpu.memory_space<hbm>>
    %dma_start3A_726 = tpu.memref_squeeze %dma_start3A_725 : memref<1x2x11008xf32, #tpu.memory_space<hbm>> -> memref<2x11008xf32, #tpu.memory_space<hbm>>
    %dma_start3A_727 = arith.constant 0 : i32
    %dma_start3A_728 = arith.constant 0 : i32
    %dma_start3A_729 = tpu.memref_slice %arg8[%dma_start3A_727, %dma_start3A_728] : memref<2x11076xf32, #tpu.memory_space<vmem>> -> memref<2x11008xf32, #tpu.memory_space<vmem>>
    %dma_start3A_730 = arith.constant 0 : i32
    %dma_start3A_731 = arith.constant 22016 : i32
    %dma_start3A_732 = tpu.memref_slice %arg2[%reduce_max3A_47, %dma_start3A_730, %dma_start3A_731] : memref<128x2x44100xf32, #tpu.memory_space<hbm>> -> memref<1x2x11008xf32, #tpu.memory_space<hbm>>
    %dma_start3A_733 = tpu.memref_squeeze %dma_start3A_732 : memref<1x2x11008xf32, #tpu.memory_space<hbm>> -> memref<2x11008xf32, #tpu.memory_space<hbm>>
    tpu.enqueue_dma source(%dma_start3A_733 : memref<2x11008xf32, #tpu.memory_space<hbm>>) target(%dma_start3A_729 : memref<2x11008xf32, #tpu.memory_space<vmem>>) target_semaphore(%arg12 : memref<!tpu.dma_semaphore, #tpu.memory_space<semaphore_mem>>)
    %dma_wait3A_734 = arith.constant 0 : i32
    %dma_wait3A_735 = arith.constant 0 : i32
    %dma_wait3A_736 = tpu.memref_slice %arg9[%dma_wait3A_734, %dma_wait3A_735] : memref<2x11076xf32, #tpu.memory_space<vmem>> -> memref<2x11076xf32, #tpu.memory_space<vmem>>
    %dma_wait3A_737 = arith.constant 0 : i32
    %dma_wait3A_738 = arith.constant 33024 : i32
    %dma_wait3A_739 = tpu.memref_slice %arg2[%reduce_max3A_35, %dma_wait3A_737, %dma_wait3A_738] : memref<128x2x44100xf32, #tpu.memory_space<hbm>> -> memref<1x2x11076xf32, #tpu.memory_space<hbm>>
    %dma_wait3A_740 = tpu.memref_squeeze %dma_wait3A_739 : memref<1x2x11076xf32, #tpu.memory_space<hbm>> -> memref<2x11076xf32, #tpu.memory_space<hbm>>
    %dma_wait3A_741 = arith.constant 0 : i32
    %dma_wait3A_742 = arith.constant 0 : i32
    %dma_wait3A_743 = tpu.memref_slice %arg9[%dma_wait3A_741, %dma_wait3A_742] : memref<2x11076xf32, #tpu.memory_space<vmem>> -> memref<2x11076xf32, #tpu.memory_space<vmem>>
    %dma_wait3A_744 = arith.constant 0 : i32
    %dma_wait3A_745 = arith.constant 33024 : i32
    %dma_wait3A_746 = tpu.memref_slice %arg2[%reduce_max3A_35, %dma_wait3A_744, %dma_wait3A_745] : memref<128x2x44100xf32, #tpu.memory_space<hbm>> -> memref<1x2x11076xf32, #tpu.memory_space<hbm>>
    %dma_wait3A_747 = tpu.memref_squeeze %dma_wait3A_746 : memref<1x2x11076xf32, #tpu.memory_space<hbm>> -> memref<2x11076xf32, #tpu.memory_space<hbm>>
    tpu.wait_dma2 semaphore(%arg13 : memref<!tpu.dma_semaphore, #tpu.memory_space<semaphore_mem>>) src(%dma_wait3A_747 : memref<2x11076xf32, #tpu.memory_space<hbm>>) dst(%dma_wait3A_743 : memref<2x11076xf32, #tpu.memory_space<vmem>>)
    %dma_start3A_748 = arith.constant 0 : i32
    %dma_start3A_749 = arith.constant 0 : i32
    %dma_start3A_750 = tpu.memref_slice %arg9[%dma_start3A_748, %dma_start3A_749] : memref<2x11076xf32, #tpu.memory_space<vmem>> -> memref<2x11076xf32, #tpu.memory_space<vmem>>
    %dma_start3A_751 = arith.constant 0 : i32
    %dma_start3A_752 = arith.constant 33024 : i32
    %dma_start3A_753 = tpu.memref_slice %arg4[%add3A_59, %dma_start3A_751, %dma_start3A_752] : memref<128x2x44100xf32, #tpu.memory_space<hbm>> -> memref<1x2x11076xf32, #tpu.memory_space<hbm>>
    %dma_start3A_754 = tpu.memref_squeeze %dma_start3A_753 : memref<1x2x11076xf32, #tpu.memory_space<hbm>> -> memref<2x11076xf32, #tpu.memory_space<hbm>>
    %dma_start3A_755 = arith.constant 0 : i32
    %dma_start3A_756 = arith.constant 33024 : i32
    %dma_start3A_757 = tpu.memref_slice %arg4[%add3A_59, %dma_start3A_755, %dma_start3A_756] : memref<128x2x44100xf32, #tpu.memory_space<hbm>> -> memref<1x2x11076xf32, #tpu.memory_space<hbm>>
    %dma_start3A_758 = tpu.memref_squeeze %dma_start3A_757 : memref<1x2x11076xf32, #tpu.memory_space<hbm>> -> memref<2x11076xf32, #tpu.memory_space<hbm>>
    %dma_start3A_759 = arith.constant 0 : i32
    %dma_start3A_760 = arith.constant 0 : i32
    %dma_start3A_761 = tpu.memref_slice %arg9[%dma_start3A_759, %dma_start3A_760] : memref<2x11076xf32, #tpu.memory_space<vmem>> -> memref<2x11076xf32, #tpu.memory_space<vmem>>
    tpu.enqueue_dma source(%dma_start3A_761 : memref<2x11076xf32, #tpu.memory_space<vmem>>) target(%dma_start3A_758 : memref<2x11076xf32, #tpu.memory_space<hbm>>) target_semaphore(%arg17 : memref<!tpu.dma_semaphore, #tpu.memory_space<semaphore_mem>>)
    %dma_wait3A_762 = arith.constant 0 : i32
    %dma_wait3A_763 = arith.constant 0 : i32
    %dma_wait3A_764 = tpu.memref_slice %arg9[%dma_wait3A_762, %dma_wait3A_763] : memref<2x11076xf32, #tpu.memory_space<vmem>> -> memref<2x11076xf32, #tpu.memory_space<vmem>>
    %dma_wait3A_765 = arith.constant 0 : i32
    %dma_wait3A_766 = arith.constant 33024 : i32
    %dma_wait3A_767 = tpu.memref_slice %arg4[%add3A_59, %dma_wait3A_765, %dma_wait3A_766] : memref<128x2x44100xf32, #tpu.memory_space<hbm>> -> memref<1x2x11076xf32, #tpu.memory_space<hbm>>
    %dma_wait3A_768 = tpu.memref_squeeze %dma_wait3A_767 : memref<1x2x11076xf32, #tpu.memory_space<hbm>> -> memref<2x11076xf32, #tpu.memory_space<hbm>>
    %dma_wait3A_769 = arith.constant 0 : i32
    %dma_wait3A_770 = arith.constant 33024 : i32
    %dma_wait3A_771 = tpu.memref_slice %arg4[%add3A_59, %dma_wait3A_769, %dma_wait3A_770] : memref<128x2x44100xf32, #tpu.memory_space<hbm>> -> memref<1x2x11076xf32, #tpu.memory_space<hbm>>
    %dma_wait3A_772 = tpu.memref_squeeze %dma_wait3A_771 : memref<1x2x11076xf32, #tpu.memory_space<hbm>> -> memref<2x11076xf32, #tpu.memory_space<hbm>>
    %dma_wait3A_773 = arith.constant 0 : i32
    %dma_wait3A_774 = arith.constant 0 : i32
    %dma_wait3A_775 = tpu.memref_slice %arg9[%dma_wait3A_773, %dma_wait3A_774] : memref<2x11076xf32, #tpu.memory_space<vmem>> -> memref<2x11076xf32, #tpu.memory_space<vmem>>
    tpu.wait_dma2 semaphore(%arg17 : memref<!tpu.dma_semaphore, #tpu.memory_space<semaphore_mem>>) src(%dma_wait3A_775 : memref<2x11076xf32, #tpu.memory_space<vmem>>) dst(%dma_wait3A_772 : memref<2x11076xf32, #tpu.memory_space<hbm>>)
    %dma_start3A_776 = arith.constant 0 : i32
    %dma_start3A_777 = arith.constant 0 : i32
    %dma_start3A_778 = tpu.memref_slice %arg9[%dma_start3A_776, %dma_start3A_777] : memref<2x11076xf32, #tpu.memory_space<vmem>> -> memref<2x11076xf32, #tpu.memory_space<vmem>>
    %dma_start3A_779 = arith.constant 0 : i32
    %dma_start3A_780 = arith.constant 33024 : i32
    %dma_start3A_781 = tpu.memref_slice %arg2[%reduce_max3A_47, %dma_start3A_779, %dma_start3A_780] : memref<128x2x44100xf32, #tpu.memory_space<hbm>> -> memref<1x2x11076xf32, #tpu.memory_space<hbm>>
    %dma_start3A_782 = tpu.memref_squeeze %dma_start3A_781 : memref<1x2x11076xf32, #tpu.memory_space<hbm>> -> memref<2x11076xf32, #tpu.memory_space<hbm>>
    %dma_start3A_783 = arith.constant 0 : i32
    %dma_start3A_784 = arith.constant 0 : i32
    %dma_start3A_785 = tpu.memref_slice %arg9[%dma_start3A_783, %dma_start3A_784] : memref<2x11076xf32, #tpu.memory_space<vmem>> -> memref<2x11076xf32, #tpu.memory_space<vmem>>
    %dma_start3A_786 = arith.constant 0 : i32
    %dma_start3A_787 = arith.constant 33024 : i32
    %dma_start3A_788 = tpu.memref_slice %arg2[%reduce_max3A_47, %dma_start3A_786, %dma_start3A_787] : memref<128x2x44100xf32, #tpu.memory_space<hbm>> -> memref<1x2x11076xf32, #tpu.memory_space<hbm>>
    %dma_start3A_789 = tpu.memref_squeeze %dma_start3A_788 : memref<1x2x11076xf32, #tpu.memory_space<hbm>> -> memref<2x11076xf32, #tpu.memory_space<hbm>>
    tpu.enqueue_dma source(%dma_start3A_789 : memref<2x11076xf32, #tpu.memory_space<hbm>>) target(%dma_start3A_785 : memref<2x11076xf32, #tpu.memory_space<vmem>>) target_semaphore(%arg13 : memref<!tpu.dma_semaphore, #tpu.memory_space<semaphore_mem>>)
    %dma_wait3A_790 = arith.constant 0 : i32
    %dma_wait3A_791 = arith.constant 0 : i32
    %dma_wait3A_792 = tpu.memref_slice %arg6[%dma_wait3A_790, %dma_wait3A_791] : memref<2x11076xf32, #tpu.memory_space<vmem>> -> memref<2x11008xf32, #tpu.memory_space<vmem>>
    %dma_wait3A_793 = arith.constant 0 : i32
    %dma_wait3A_794 = arith.constant 0 : i32
    %dma_wait3A_795 = tpu.memref_slice %arg2[%reduce_max3A_47, %dma_wait3A_793, %dma_wait3A_794] : memref<128x2x44100xf32, #tpu.memory_space<hbm>> -> memref<1x2x11008xf32, #tpu.memory_space<hbm>>
    %dma_wait3A_796 = tpu.memref_squeeze %dma_wait3A_795 : memref<1x2x11008xf32, #tpu.memory_space<hbm>> -> memref<2x11008xf32, #tpu.memory_space<hbm>>
    %dma_wait3A_797 = arith.constant 0 : i32
    %dma_wait3A_798 = arith.constant 0 : i32
    %dma_wait3A_799 = tpu.memref_slice %arg6[%dma_wait3A_797, %dma_wait3A_798] : memref<2x11076xf32, #tpu.memory_space<vmem>> -> memref<2x11008xf32, #tpu.memory_space<vmem>>
    %dma_wait3A_800 = arith.constant 0 : i32
    %dma_wait3A_801 = arith.constant 0 : i32
    %dma_wait3A_802 = tpu.memref_slice %arg2[%reduce_max3A_47, %dma_wait3A_800, %dma_wait3A_801] : memref<128x2x44100xf32, #tpu.memory_space<hbm>> -> memref<1x2x11008xf32, #tpu.memory_space<hbm>>
    %dma_wait3A_803 = tpu.memref_squeeze %dma_wait3A_802 : memref<1x2x11008xf32, #tpu.memory_space<hbm>> -> memref<2x11008xf32, #tpu.memory_space<hbm>>
    tpu.wait_dma2 semaphore(%arg10 : memref<!tpu.dma_semaphore, #tpu.memory_space<semaphore_mem>>) src(%dma_wait3A_803 : memref<2x11008xf32, #tpu.memory_space<hbm>>) dst(%dma_wait3A_799 : memref<2x11008xf32, #tpu.memory_space<vmem>>)
    %dma_start3A_804 = arith.constant 0 : i32
    %dma_start3A_805 = arith.constant 0 : i32
    %dma_start3A_806 = tpu.memref_slice %arg6[%dma_start3A_804, %dma_start3A_805] : memref<2x11076xf32, #tpu.memory_space<vmem>> -> memref<2x11008xf32, #tpu.memory_space<vmem>>
    %dma_start3A_807 = arith.constant 0 : i32
    %dma_start3A_808 = arith.constant 0 : i32
    %dma_start3A_809 = tpu.memref_slice %arg4[%add3A_63, %dma_start3A_807, %dma_start3A_808] : memref<128x2x44100xf32, #tpu.memory_space<hbm>> -> memref<1x2x11008xf32, #tpu.memory_space<hbm>>
    %dma_start3A_810 = tpu.memref_squeeze %dma_start3A_809 : memref<1x2x11008xf32, #tpu.memory_space<hbm>> -> memref<2x11008xf32, #tpu.memory_space<hbm>>
    %dma_start3A_811 = arith.constant 0 : i32
    %dma_start3A_812 = arith.constant 0 : i32
    %dma_start3A_813 = tpu.memref_slice %arg4[%add3A_63, %dma_start3A_811, %dma_start3A_812] : memref<128x2x44100xf32, #tpu.memory_space<hbm>> -> memref<1x2x11008xf32, #tpu.memory_space<hbm>>
    %dma_start3A_814 = tpu.memref_squeeze %dma_start3A_813 : memref<1x2x11008xf32, #tpu.memory_space<hbm>> -> memref<2x11008xf32, #tpu.memory_space<hbm>>
    %dma_start3A_815 = arith.constant 0 : i32
    %dma_start3A_816 = arith.constant 0 : i32
    %dma_start3A_817 = tpu.memref_slice %arg6[%dma_start3A_815, %dma_start3A_816] : memref<2x11076xf32, #tpu.memory_space<vmem>> -> memref<2x11008xf32, #tpu.memory_space<vmem>>
    tpu.enqueue_dma source(%dma_start3A_817 : memref<2x11008xf32, #tpu.memory_space<vmem>>) target(%dma_start3A_814 : memref<2x11008xf32, #tpu.memory_space<hbm>>) target_semaphore(%arg14 : memref<!tpu.dma_semaphore, #tpu.memory_space<semaphore_mem>>)
    %dma_wait3A_818 = arith.constant 0 : i32
    %dma_wait3A_819 = arith.constant 0 : i32
    %dma_wait3A_820 = tpu.memref_slice %arg7[%dma_wait3A_818, %dma_wait3A_819] : memref<2x11076xf32, #tpu.memory_space<vmem>> -> memref<2x11008xf32, #tpu.memory_space<vmem>>
    %dma_wait3A_821 = arith.constant 0 : i32
    %dma_wait3A_822 = arith.constant 11008 : i32
    %dma_wait3A_823 = tpu.memref_slice %arg2[%reduce_max3A_47, %dma_wait3A_821, %dma_wait3A_822] : memref<128x2x44100xf32, #tpu.memory_space<hbm>> -> memref<1x2x11008xf32, #tpu.memory_space<hbm>>
    %dma_wait3A_824 = tpu.memref_squeeze %dma_wait3A_823 : memref<1x2x11008xf32, #tpu.memory_space<hbm>> -> memref<2x11008xf32, #tpu.memory_space<hbm>>
    %dma_wait3A_825 = arith.constant 0 : i32
    %dma_wait3A_826 = arith.constant 0 : i32
    %dma_wait3A_827 = tpu.memref_slice %arg7[%dma_wait3A_825, %dma_wait3A_826] : memref<2x11076xf32, #tpu.memory_space<vmem>> -> memref<2x11008xf32, #tpu.memory_space<vmem>>
    %dma_wait3A_828 = arith.constant 0 : i32
    %dma_wait3A_829 = arith.constant 11008 : i32
    %dma_wait3A_830 = tpu.memref_slice %arg2[%reduce_max3A_47, %dma_wait3A_828, %dma_wait3A_829] : memref<128x2x44100xf32, #tpu.memory_space<hbm>> -> memref<1x2x11008xf32, #tpu.memory_space<hbm>>
    %dma_wait3A_831 = tpu.memref_squeeze %dma_wait3A_830 : memref<1x2x11008xf32, #tpu.memory_space<hbm>> -> memref<2x11008xf32, #tpu.memory_space<hbm>>
    tpu.wait_dma2 semaphore(%arg11 : memref<!tpu.dma_semaphore, #tpu.memory_space<semaphore_mem>>) src(%dma_wait3A_831 : memref<2x11008xf32, #tpu.memory_space<hbm>>) dst(%dma_wait3A_827 : memref<2x11008xf32, #tpu.memory_space<vmem>>)
    %dma_start3A_832 = arith.constant 0 : i32
    %dma_start3A_833 = arith.constant 0 : i32
    %dma_start3A_834 = tpu.memref_slice %arg7[%dma_start3A_832, %dma_start3A_833] : memref<2x11076xf32, #tpu.memory_space<vmem>> -> memref<2x11008xf32, #tpu.memory_space<vmem>>
    %dma_start3A_835 = arith.constant 0 : i32
    %dma_start3A_836 = arith.constant 11008 : i32
    %dma_start3A_837 = tpu.memref_slice %arg4[%add3A_63, %dma_start3A_835, %dma_start3A_836] : memref<128x2x44100xf32, #tpu.memory_space<hbm>> -> memref<1x2x11008xf32, #tpu.memory_space<hbm>>
    %dma_start3A_838 = tpu.memref_squeeze %dma_start3A_837 : memref<1x2x11008xf32, #tpu.memory_space<hbm>> -> memref<2x11008xf32, #tpu.memory_space<hbm>>
    %dma_start3A_839 = arith.constant 0 : i32
    %dma_start3A_840 = arith.constant 11008 : i32
    %dma_start3A_841 = tpu.memref_slice %arg4[%add3A_63, %dma_start3A_839, %dma_start3A_840] : memref<128x2x44100xf32, #tpu.memory_space<hbm>> -> memref<1x2x11008xf32, #tpu.memory_space<hbm>>
    %dma_start3A_842 = tpu.memref_squeeze %dma_start3A_841 : memref<1x2x11008xf32, #tpu.memory_space<hbm>> -> memref<2x11008xf32, #tpu.memory_space<hbm>>
    %dma_start3A_843 = arith.constant 0 : i32
    %dma_start3A_844 = arith.constant 0 : i32
    %dma_start3A_845 = tpu.memref_slice %arg7[%dma_start3A_843, %dma_start3A_844] : memref<2x11076xf32, #tpu.memory_space<vmem>> -> memref<2x11008xf32, #tpu.memory_space<vmem>>
    tpu.enqueue_dma source(%dma_start3A_845 : memref<2x11008xf32, #tpu.memory_space<vmem>>) target(%dma_start3A_842 : memref<2x11008xf32, #tpu.memory_space<hbm>>) target_semaphore(%arg15 : memref<!tpu.dma_semaphore, #tpu.memory_space<semaphore_mem>>)
    %dma_wait3A_846 = arith.constant 0 : i32
    %dma_wait3A_847 = arith.constant 0 : i32
    %dma_wait3A_848 = tpu.memref_slice %arg8[%dma_wait3A_846, %dma_wait3A_847] : memref<2x11076xf32, #tpu.memory_space<vmem>> -> memref<2x11008xf32, #tpu.memory_space<vmem>>
    %dma_wait3A_849 = arith.constant 0 : i32
    %dma_wait3A_850 = arith.constant 22016 : i32
    %dma_wait3A_851 = tpu.memref_slice %arg2[%reduce_max3A_47, %dma_wait3A_849, %dma_wait3A_850] : memref<128x2x44100xf32, #tpu.memory_space<hbm>> -> memref<1x2x11008xf32, #tpu.memory_space<hbm>>
    %dma_wait3A_852 = tpu.memref_squeeze %dma_wait3A_851 : memref<1x2x11008xf32, #tpu.memory_space<hbm>> -> memref<2x11008xf32, #tpu.memory_space<hbm>>
    %dma_wait3A_853 = arith.constant 0 : i32
    %dma_wait3A_854 = arith.constant 0 : i32
    %dma_wait3A_855 = tpu.memref_slice %arg8[%dma_wait3A_853, %dma_wait3A_854] : memref<2x11076xf32, #tpu.memory_space<vmem>> -> memref<2x11008xf32, #tpu.memory_space<vmem>>
    %dma_wait3A_856 = arith.constant 0 : i32
    %dma_wait3A_857 = arith.constant 22016 : i32
    %dma_wait3A_858 = tpu.memref_slice %arg2[%reduce_max3A_47, %dma_wait3A_856, %dma_wait3A_857] : memref<128x2x44100xf32, #tpu.memory_space<hbm>> -> memref<1x2x11008xf32, #tpu.memory_space<hbm>>
    %dma_wait3A_859 = tpu.memref_squeeze %dma_wait3A_858 : memref<1x2x11008xf32, #tpu.memory_space<hbm>> -> memref<2x11008xf32, #tpu.memory_space<hbm>>
    tpu.wait_dma2 semaphore(%arg12 : memref<!tpu.dma_semaphore, #tpu.memory_space<semaphore_mem>>) src(%dma_wait3A_859 : memref<2x11008xf32, #tpu.memory_space<hbm>>) dst(%dma_wait3A_855 : memref<2x11008xf32, #tpu.memory_space<vmem>>)
    %dma_start3A_860 = arith.constant 0 : i32
    %dma_start3A_861 = arith.constant 0 : i32
    %dma_start3A_862 = tpu.memref_slice %arg8[%dma_start3A_860, %dma_start3A_861] : memref<2x11076xf32, #tpu.memory_space<vmem>> -> memref<2x11008xf32, #tpu.memory_space<vmem>>
    %dma_start3A_863 = arith.constant 0 : i32
    %dma_start3A_864 = arith.constant 22016 : i32
    %dma_start3A_865 = tpu.memref_slice %arg4[%add3A_63, %dma_start3A_863, %dma_start3A_864] : memref<128x2x44100xf32, #tpu.memory_space<hbm>> -> memref<1x2x11008xf32, #tpu.memory_space<hbm>>
    %dma_start3A_866 = tpu.memref_squeeze %dma_start3A_865 : memref<1x2x11008xf32, #tpu.memory_space<hbm>> -> memref<2x11008xf32, #tpu.memory_space<hbm>>
    %dma_start3A_867 = arith.constant 0 : i32
    %dma_start3A_868 = arith.constant 22016 : i32
    %dma_start3A_869 = tpu.memref_slice %arg4[%add3A_63, %dma_start3A_867, %dma_start3A_868] : memref<128x2x44100xf32, #tpu.memory_space<hbm>> -> memref<1x2x11008xf32, #tpu.memory_space<hbm>>
    %dma_start3A_870 = tpu.memref_squeeze %dma_start3A_869 : memref<1x2x11008xf32, #tpu.memory_space<hbm>> -> memref<2x11008xf32, #tpu.memory_space<hbm>>
    %dma_start3A_871 = arith.constant 0 : i32
    %dma_start3A_872 = arith.constant 0 : i32
    %dma_start3A_873 = tpu.memref_slice %arg8[%dma_start3A_871, %dma_start3A_872] : memref<2x11076xf32, #tpu.memory_space<vmem>> -> memref<2x11008xf32, #tpu.memory_space<vmem>>
    tpu.enqueue_dma source(%dma_start3A_873 : memref<2x11008xf32, #tpu.memory_space<vmem>>) target(%dma_start3A_870 : memref<2x11008xf32, #tpu.memory_space<hbm>>) target_semaphore(%arg16 : memref<!tpu.dma_semaphore, #tpu.memory_space<semaphore_mem>>)
    %dma_wait3A_874 = arith.constant 0 : i32
    %dma_wait3A_875 = arith.constant 0 : i32
    %dma_wait3A_876 = tpu.memref_slice %arg9[%dma_wait3A_874, %dma_wait3A_875] : memref<2x11076xf32, #tpu.memory_space<vmem>> -> memref<2x11076xf32, #tpu.memory_space<vmem>>
    %dma_wait3A_877 = arith.constant 0 : i32
    %dma_wait3A_878 = arith.constant 33024 : i32
    %dma_wait3A_879 = tpu.memref_slice %arg2[%reduce_max3A_47, %dma_wait3A_877, %dma_wait3A_878] : memref<128x2x44100xf32, #tpu.memory_space<hbm>> -> memref<1x2x11076xf32, #tpu.memory_space<hbm>>
    %dma_wait3A_880 = tpu.memref_squeeze %dma_wait3A_879 : memref<1x2x11076xf32, #tpu.memory_space<hbm>> -> memref<2x11076xf32, #tpu.memory_space<hbm>>
    %dma_wait3A_881 = arith.constant 0 : i32
    %dma_wait3A_882 = arith.constant 0 : i32
    %dma_wait3A_883 = tpu.memref_slice %arg9[%dma_wait3A_881, %dma_wait3A_882] : memref<2x11076xf32, #tpu.memory_space<vmem>> -> memref<2x11076xf32, #tpu.memory_space<vmem>>
    %dma_wait3A_884 = arith.constant 0 : i32
    %dma_wait3A_885 = arith.constant 33024 : i32
    %dma_wait3A_886 = tpu.memref_slice %arg2[%reduce_max3A_47, %dma_wait3A_884, %dma_wait3A_885] : memref<128x2x44100xf32, #tpu.memory_space<hbm>> -> memref<1x2x11076xf32, #tpu.memory_space<hbm>>
    %dma_wait3A_887 = tpu.memref_squeeze %dma_wait3A_886 : memref<1x2x11076xf32, #tpu.memory_space<hbm>> -> memref<2x11076xf32, #tpu.memory_space<hbm>>
    tpu.wait_dma2 semaphore(%arg13 : memref<!tpu.dma_semaphore, #tpu.memory_space<semaphore_mem>>) src(%dma_wait3A_887 : memref<2x11076xf32, #tpu.memory_space<hbm>>) dst(%dma_wait3A_883 : memref<2x11076xf32, #tpu.memory_space<vmem>>)
    %dma_start3A_888 = arith.constant 0 : i32
    %dma_start3A_889 = arith.constant 0 : i32
    %dma_start3A_890 = tpu.memref_slice %arg9[%dma_start3A_888, %dma_start3A_889] : memref<2x11076xf32, #tpu.memory_space<vmem>> -> memref<2x11076xf32, #tpu.memory_space<vmem>>
    %dma_start3A_891 = arith.constant 0 : i32
    %dma_start3A_892 = arith.constant 33024 : i32
    %dma_start3A_893 = tpu.memref_slice %arg4[%add3A_63, %dma_start3A_891, %dma_start3A_892] : memref<128x2x44100xf32, #tpu.memory_space<hbm>> -> memref<1x2x11076xf32, #tpu.memory_space<hbm>>
    %dma_start3A_894 = tpu.memref_squeeze %dma_start3A_893 : memref<1x2x11076xf32, #tpu.memory_space<hbm>> -> memref<2x11076xf32, #tpu.memory_space<hbm>>
    %dma_start3A_895 = arith.constant 0 : i32
    %dma_start3A_896 = arith.constant 33024 : i32
    %dma_start3A_897 = tpu.memref_slice %arg4[%add3A_63, %dma_start3A_895, %dma_start3A_896] : memref<128x2x44100xf32, #tpu.memory_space<hbm>> -> memref<1x2x11076xf32, #tpu.memory_space<hbm>>
    %dma_start3A_898 = tpu.memref_squeeze %dma_start3A_897 : memref<1x2x11076xf32, #tpu.memory_space<hbm>> -> memref<2x11076xf32, #tpu.memory_space<hbm>>
    %dma_start3A_899 = arith.constant 0 : i32
    %dma_start3A_900 = arith.constant 0 : i32
    %dma_start3A_901 = tpu.memref_slice %arg9[%dma_start3A_899, %dma_start3A_900] : memref<2x11076xf32, #tpu.memory_space<vmem>> -> memref<2x11076xf32, #tpu.memory_space<vmem>>
    tpu.enqueue_dma source(%dma_start3A_901 : memref<2x11076xf32, #tpu.memory_space<vmem>>) target(%dma_start3A_898 : memref<2x11076xf32, #tpu.memory_space<hbm>>) target_semaphore(%arg17 : memref<!tpu.dma_semaphore, #tpu.memory_space<semaphore_mem>>)
    %dma_wait3A_902 = arith.constant 0 : i32
    %dma_wait3A_903 = arith.constant 0 : i32
    %dma_wait3A_904 = tpu.memref_slice %arg6[%dma_wait3A_902, %dma_wait3A_903] : memref<2x11076xf32, #tpu.memory_space<vmem>> -> memref<2x11008xf32, #tpu.memory_space<vmem>>
    %dma_wait3A_905 = arith.constant 0 : i32
    %dma_wait3A_906 = arith.constant 0 : i32
    %dma_wait3A_907 = tpu.memref_slice %arg4[%add3A_63, %dma_wait3A_905, %dma_wait3A_906] : memref<128x2x44100xf32, #tpu.memory_space<hbm>> -> memref<1x2x11008xf32, #tpu.memory_space<hbm>>
    %dma_wait3A_908 = tpu.memref_squeeze %dma_wait3A_907 : memref<1x2x11008xf32, #tpu.memory_space<hbm>> -> memref<2x11008xf32, #tpu.memory_space<hbm>>
    %dma_wait3A_909 = arith.constant 0 : i32
    %dma_wait3A_910 = arith.constant 0 : i32
    %dma_wait3A_911 = tpu.memref_slice %arg4[%add3A_63, %dma_wait3A_909, %dma_wait3A_910] : memref<128x2x44100xf32, #tpu.memory_space<hbm>> -> memref<1x2x11008xf32, #tpu.memory_space<hbm>>
    %dma_wait3A_912 = tpu.memref_squeeze %dma_wait3A_911 : memref<1x2x11008xf32, #tpu.memory_space<hbm>> -> memref<2x11008xf32, #tpu.memory_space<hbm>>
    %dma_wait3A_913 = arith.constant 0 : i32
    %dma_wait3A_914 = arith.constant 0 : i32
    %dma_wait3A_915 = tpu.memref_slice %arg6[%dma_wait3A_913, %dma_wait3A_914] : memref<2x11076xf32, #tpu.memory_space<vmem>> -> memref<2x11008xf32, #tpu.memory_space<vmem>>
    tpu.wait_dma2 semaphore(%arg14 : memref<!tpu.dma_semaphore, #tpu.memory_space<semaphore_mem>>) src(%dma_wait3A_915 : memref<2x11008xf32, #tpu.memory_space<vmem>>) dst(%dma_wait3A_912 : memref<2x11008xf32, #tpu.memory_space<hbm>>)
    %dma_wait3A_916 = arith.constant 0 : i32
    %dma_wait3A_917 = arith.constant 0 : i32
    %dma_wait3A_918 = tpu.memref_slice %arg7[%dma_wait3A_916, %dma_wait3A_917] : memref<2x11076xf32, #tpu.memory_space<vmem>> -> memref<2x11008xf32, #tpu.memory_space<vmem>>
    %dma_wait3A_919 = arith.constant 0 : i32
    %dma_wait3A_920 = arith.constant 11008 : i32
    %dma_wait3A_921 = tpu.memref_slice %arg4[%add3A_63, %dma_wait3A_919, %dma_wait3A_920] : memref<128x2x44100xf32, #tpu.memory_space<hbm>> -> memref<1x2x11008xf32, #tpu.memory_space<hbm>>
    %dma_wait3A_922 = tpu.memref_squeeze %dma_wait3A_921 : memref<1x2x11008xf32, #tpu.memory_space<hbm>> -> memref<2x11008xf32, #tpu.memory_space<hbm>>
    %dma_wait3A_923 = arith.constant 0 : i32
    %dma_wait3A_924 = arith.constant 11008 : i32
    %dma_wait3A_925 = tpu.memref_slice %arg4[%add3A_63, %dma_wait3A_923, %dma_wait3A_924] : memref<128x2x44100xf32, #tpu.memory_space<hbm>> -> memref<1x2x11008xf32, #tpu.memory_space<hbm>>
    %dma_wait3A_926 = tpu.memref_squeeze %dma_wait3A_925 : memref<1x2x11008xf32, #tpu.memory_space<hbm>> -> memref<2x11008xf32, #tpu.memory_space<hbm>>
    %dma_wait3A_927 = arith.constant 0 : i32
    %dma_wait3A_928 = arith.constant 0 : i32
    %dma_wait3A_929 = tpu.memref_slice %arg7[%dma_wait3A_927, %dma_wait3A_928] : memref<2x11076xf32, #tpu.memory_space<vmem>> -> memref<2x11008xf32, #tpu.memory_space<vmem>>
    tpu.wait_dma2 semaphore(%arg15 : memref<!tpu.dma_semaphore, #tpu.memory_space<semaphore_mem>>) src(%dma_wait3A_929 : memref<2x11008xf32, #tpu.memory_space<vmem>>) dst(%dma_wait3A_926 : memref<2x11008xf32, #tpu.memory_space<hbm>>)
    %dma_wait3A_930 = arith.constant 0 : i32
    %dma_wait3A_931 = arith.constant 0 : i32
    %dma_wait3A_932 = tpu.memref_slice %arg8[%dma_wait3A_930, %dma_wait3A_931] : memref<2x11076xf32, #tpu.memory_space<vmem>> -> memref<2x11008xf32, #tpu.memory_space<vmem>>
    %dma_wait3A_933 = arith.constant 0 : i32
    %dma_wait3A_934 = arith.constant 22016 : i32
    %dma_wait3A_935 = tpu.memref_slice %arg4[%add3A_63, %dma_wait3A_933, %dma_wait3A_934] : memref<128x2x44100xf32, #tpu.memory_space<hbm>> -> memref<1x2x11008xf32, #tpu.memory_space<hbm>>
    %dma_wait3A_936 = tpu.memref_squeeze %dma_wait3A_935 : memref<1x2x11008xf32, #tpu.memory_space<hbm>> -> memref<2x11008xf32, #tpu.memory_space<hbm>>
    %dma_wait3A_937 = arith.constant 0 : i32
    %dma_wait3A_938 = arith.constant 22016 : i32
    %dma_wait3A_939 = tpu.memref_slice %arg4[%add3A_63, %dma_wait3A_937, %dma_wait3A_938] : memref<128x2x44100xf32, #tpu.memory_space<hbm>> -> memref<1x2x11008xf32, #tpu.memory_space<hbm>>
    %dma_wait3A_940 = tpu.memref_squeeze %dma_wait3A_939 : memref<1x2x11008xf32, #tpu.memory_space<hbm>> -> memref<2x11008xf32, #tpu.memory_space<hbm>>
    %dma_wait3A_941 = arith.constant 0 : i32
    %dma_wait3A_942 = arith.constant 0 : i32
    %dma_wait3A_943 = tpu.memref_slice %arg8[%dma_wait3A_941, %dma_wait3A_942] : memref<2x11076xf32, #tpu.memory_space<vmem>> -> memref<2x11008xf32, #tpu.memory_space<vmem>>
    tpu.wait_dma2 semaphore(%arg16 : memref<!tpu.dma_semaphore, #tpu.memory_space<semaphore_mem>>) src(%dma_wait3A_943 : memref<2x11008xf32, #tpu.memory_space<vmem>>) dst(%dma_wait3A_940 : memref<2x11008xf32, #tpu.memory_space<hbm>>)
    %dma_wait3A_944 = arith.constant 0 : i32
    %dma_wait3A_945 = arith.constant 0 : i32
    %dma_wait3A_946 = tpu.memref_slice %arg9[%dma_wait3A_944, %dma_wait3A_945] : memref<2x11076xf32, #tpu.memory_space<vmem>> -> memref<2x11076xf32, #tpu.memory_space<vmem>>
    %dma_wait3A_947 = arith.constant 0 : i32
    %dma_wait3A_948 = arith.constant 33024 : i32
    %dma_wait3A_949 = tpu.memref_slice %arg4[%add3A_63, %dma_wait3A_947, %dma_wait3A_948] : memref<128x2x44100xf32, #tpu.memory_space<hbm>> -> memref<1x2x11076xf32, #tpu.memory_space<hbm>>
    %dma_wait3A_950 = tpu.memref_squeeze %dma_wait3A_949 : memref<1x2x11076xf32, #tpu.memory_space<hbm>> -> memref<2x11076xf32, #tpu.memory_space<hbm>>
    %dma_wait3A_951 = arith.constant 0 : i32
    %dma_wait3A_952 = arith.constant 33024 : i32
    %dma_wait3A_953 = tpu.memref_slice %arg4[%add3A_63, %dma_wait3A_951, %dma_wait3A_952] : memref<128x2x44100xf32, #tpu.memory_space<hbm>> -> memref<1x2x11076xf32, #tpu.memory_space<hbm>>
    %dma_wait3A_954 = tpu.memref_squeeze %dma_wait3A_953 : memref<1x2x11076xf32, #tpu.memory_space<hbm>> -> memref<2x11076xf32, #tpu.memory_space<hbm>>
    %dma_wait3A_955 = arith.constant 0 : i32
    %dma_wait3A_956 = arith.constant 0 : i32
    %dma_wait3A_957 = tpu.memref_slice %arg9[%dma_wait3A_955, %dma_wait3A_956] : memref<2x11076xf32, #tpu.memory_space<vmem>> -> memref<2x11076xf32, #tpu.memory_space<vmem>>
    tpu.wait_dma2 semaphore(%arg17 : memref<!tpu.dma_semaphore, #tpu.memory_space<semaphore_mem>>) src(%dma_wait3A_957 : memref<2x11076xf32, #tpu.memory_space<vmem>>) dst(%dma_wait3A_954 : memref<2x11076xf32, #tpu.memory_space<hbm>>)
    return
  }
}

</mosaic_0001>

<sc_bundles>
// kernel: _sc_call.3.cloned.1.call-start
scs
__scs_entry_jumppad:
0x0: {  	(pc) =	sbr.rel $0x88, $3  }
0x1: {  	(tag) =	ssettag $0x0;
	lr =	simm.s32 $0x1  }
0x2: {  	[smem:$0x3F9F] =	sst lr;
	_ =	strace $0xD0000000  }
0x3: {  	_ = 	snop  }
0x4: {  	_ = 	snop  }
0x5: {  	_ = 	snop  }
0x6: {  	_ = 	snop  }
0x7: {  	_ = 	snop  }
__scs_overlays_trampoline_lowered:
0x8: {  	[smem:$0x3FAE] =	sst s0  }
0x9: {  	[smem:$0x3FAF] =	sst s1  }
0xa: {  	[smem:$0x3FB0] =	sst s2  }
0xb: {  	[smem:$0x3FB1] =	sst s3  }
0xc: {  	[smem:$0x3FB2] =	sst s4  }
0xd: {  	[smem:$0x3FB3] =	sst s5  }
0xe: {  	[smem:$0x3FB4] =	sst s6  }
0xf: {  	[smem:$0x3FB5] =	sst s7  }
0x10: {  	[smem:$0x3FB6] =	sst s8  }
0x11: {  	[smem:$0x3FB7] =	sst s9;
	s0 =	simm.s32 @!p0 $0x0  }
0x12: {  	s1 =	sld [smem:$0x3F9D];
	s0 =	simm.s32 @p0 $0x1  }
0x13: {  	[smem:$0x3FB8] =	sst s0;
	s0 =	simm.s32 @!p1 $0x0  }
0x14: {  	s2 =	sld [smem:$0x3F9C];
	s0 =	simm.s32 @p1 $0x1  }
0x15: {  	[smem:$0x3FB9] =	sst s0;
	s0 =	simm.s32 @!p2 $0x0  }
0x16: {  	s3 =	sld [smem:$0x3FDB];
	s0 =	simm.s32 @p2 $0x1  }
0x17: {  	s4 =	simm.s32 $0x1BF5;
	[smem:$0x3FBB] =	sst s0  }
0x18: {  	s0 =	sld [smem:$0x3F9E];
	_ =	swait.ge [sflag:s4], $0x0  }
0x19: {  	s7 =	sld [smem:$0x3F9F]  }
0x1a: {  	s8 =	sadd.s32 $0xFFFFE003, lr  }
0x1b: {  	s9 =	sadd.s32 $0xFFFFFEF7, lr;
	s5 =	simm.s32 $0xFFFFFFFF;
	p2 =	slt.u32 s8, $0xFFFFF086  }
0x1c: {  	p1 =	slt.u32 s9, $0xF7A;
	s5 =	simm.s32 @!p2 $0x0  }
0x1d: {  	s5 =	simm.s32 @p1 $0x1;
	p0 =	seq.s32 s7, s2  }
0x1e: {  	s7 =	smul.u32 @!p0 $0xF7A, s2;
	p2 =	seq.s32 @!p0 s5, $0x0  }
0x1f: {  	s9 =	smul.u32 $0xF7A, s1;
	s8 =	simm.s32 @!p0 $0x1BF5;
	p2 =	por !p2, p0  }
0x20: {  	[sflag:s8] =	ssyncset.s32 @!p0 $0xFFFFF086;
	s6 =	sadd.s32 @!p0 s3, s7;
	s7 =	simm.s32 @!p0 $0x108  }
0x21: {  	s3 =	sadd.s32 s3, s9;
	s6 =	sadd.s32 @!p0 $0x88, s6;
	s7 =	simm.s32 @p2 $0x1082  }
0x22: {  	[simem:s7], [sflag:s8] =	dma.local @!p0 [hbm:s6], $0xF7A  }
0x23: {  	s9 =	sor.u32 $0xD0000000, s2;
	s6 =	simm.s32 $0x108;
	_ =	swait.ge @!p0 [sflag:s8], $0x0  }
0x24: {  	s3 =	sadd.s32 $0x88, s3;
	s6 =	simm.s32 @!p1 $0x1082;
	[sflag:s4] =	ssyncset.s32 $0xFFFFF086  }
0x25: {  	[simem:s6], [sflag:s4] =	dma.local [hbm:s3], $0xF7A  }
0x26: {  	[smem:$0x3F9F] =	sst s1;
	(tag) =	ssettag s2;
	_ =	strace s9  }
0x27: {  	s1 =	sld [smem:$0x3FAF]  }
0x28: {  	s2 =	sld [smem:$0x3FB0]  }
0x29: {  	s4 =	sld [smem:$0x3FB2]  }
0x2a: {  	p0 =	seq.s32 s5, $0x0;
	s5 =	sld [smem:$0x3FB3]  }
0x2b: {  	s6 =	sld [smem:$0x3FB4]  }
0x2c: {  	s7 =	sld [smem:$0x3FB5]  }
0x2d: {  	s3 =	simm.s32 $0x108;
	s8 =	sld [smem:$0x3FB6]  }
0x2e: {  	s3 =	simm.s32 @!p0 $0x1082;
	s9 =	sld [smem:$0x3FB7]  }
0x2f: {  	lr =	sadd.s32 s0, s3;
	s0 =	sld [smem:$0x3FAE]  }
0x30: {  	s3 =	sld [smem:$0x3FB1]  }
0x31: {  	[smem:$0x3FBA] =	sst s10  }
0x32: {  	s10 =	sld [smem:$0x3FB8];
	_ =	sdelay $0x3  }
0x33: {  	p0 =	seq.s32 s10, $0x1;
	s10 =	sld [smem:$0x3FBA];
	_ =	sdelay $0x3  }
0x34: {  	[smem:$0x3FBA] =	sst s10  }
0x35: {  	s10 =	sld [smem:$0x3FB9];
	_ =	sdelay $0x3  }
0x36: {  	p1 =	seq.s32 s10, $0x1;
	s10 =	sld [smem:$0x3FBA];
	_ =	sdelay $0x3  }
0x37: {  	[smem:$0x3FBA] =	sst s10  }
0x38: {  	s10 =	sld [smem:$0x3FBB]  }
0x39: {  	_ = 	snop;
	(pc) =	sbr.ind lr, $3  }
0x3a: {  	_ = 	snop  }
0x3b: {  	_ = 	snop  }
0x3c: {  	p2 =	seq.s32 s10, $0x1;
	s10 =	sld [smem:$0x3FBA]  }
0x3d: {  	_ =	shalt  }
0x3e: {  	_ =	shalt  }
0x3f: {  	_ =	shalt  }
0x40: {  	_ =	shalt  }
0x41: {  	_ =	shalt  }
0x42: {  	_ =	shalt  }
0x43: {  	_ =	shalt  }
0x44: {  	_ =	shalt  }
0x45: {  	_ =	shalt  }
0x46: {  	_ =	shalt  }
0x47: {  	_ =	shalt  }
0x48: {  	_ =	shalt  }
0x49: {  	_ =	shalt  }
0x4a: {  	_ =	shalt  }
0x4b: {  	_ =	shalt  }
0x4c: {  	_ =	shalt  }
0x4d: {  	_ =	shalt  }
0x4e: {  	_ =	shalt  }
0x4f: {  	_ =	shalt  }
0x50: {  	_ =	shalt  }
0x51: {  	_ =	shalt  }
0x52: {  	_ =	shalt  }
0x53: {  	_ =	shalt  }
0x54: {  	_ =	shalt  }
0x55: {  	_ =	shalt  }
0x56: {  	_ =	shalt  }
0x57: {  	_ =	shalt  }
0x58: {  	_ =	shalt  }
0x59: {  	_ =	shalt  }
0x5a: {  	_ =	shalt  }
0x5b: {  	_ =	shalt  }
0x5c: {  	_ =	shalt  }
0x5d: {  	_ =	shalt  }
0x5e: {  	_ =	shalt  }
0x5f: {  	_ =	shalt  }
0x60: {  	_ =	shalt  }
0x61: {  	_ =	shalt  }
0x62: {  	_ =	shalt  }
0x63: {  	_ =	shalt  }
0x64: {  	_ =	shalt  }
0x65: {  	_ =	shalt  }
0x66: {  	_ =	shalt  }
0x67: {  	_ =	shalt  }
0x68: {  	_ =	shalt  }
0x69: {  	_ =	shalt  }
0x6a: {  	_ =	shalt  }
0x6b: {  	_ =	shalt  }
0x6c: {  	_ =	shalt  }
0x6d: {  	_ =	shalt  }
0x6e: {  	_ =	shalt  }
0x6f: {  	_ =	shalt  }
0x70: {  	_ =	shalt  }
0x71: {  	_ =	shalt  }
0x72: {  	_ =	shalt  }
0x73: {  	_ =	shalt  }
0x74: {  	_ =	shalt  }
0x75: {  	_ =	shalt  }
0x76: {  	_ =	shalt  }
0x77: {  	_ =	shalt  }
0x78: {  	_ =	shalt  }
0x79: {  	_ =	shalt  }
0x7a: {  	_ =	shalt  }
0x7b: {  	_ =	shalt  }
0x7c: {  	_ =	shalt  }
0x7d: {  	_ =	shalt  }
0x7e: {  	_ =	shalt  }
0x7f: {  	_ =	shalt  }
0x80: {  	_ =	shalt  }
0x81: {  	_ =	shalt  }
0x82: {  	_ =	shalt  }
0x83: {  	_ =	shalt  }
0x84: {  	_ =	shalt  }
0x85: {  	_ =	shalt  }
0x86: {  	_ =	shalt  }
0x87: {  	_ =	shalt  }
.Lfunc_end0:
.L_simem_size_0:
called_computation_lowered:
.L_overlay_start_0:
0x88: {  	s2 =	sld [smem:$0x3FD9]  }
0x89: {  	s3 =	sld [smem:$0x3FFE];
	_ =	sdelay $0x1  }
0x8a: {  	s1 =	srdreg.scid  }
0x8b: {  	s0 =	sand.u32 $0x1, s1  }
0x8c: {  	s17 =	sshll.u32 s0, $0xA;
	s2 =	sadd.s32 s3, s2  }
0x8d: {  	s2 =	sadd.s32 s2, s17  }
0x8e: {  	[smem:$0x3FC6] =	sst s2  }
0x8f: {  	_ = 	snop  }
0x90: {  	s2 =	sld [smem:$0x3FD0];
	(tm) =	ssettm $0x1  }
0x91: {  	s18 =	sld [smem:$0x3FFB];
	_ =	sdelay $0x3  }
0x92: {  	_ =	strace s18  }
0x93: {  	s3 =	sld [smem:$0x3FFC];
	_ =	sdelay $0x3  }
0x94: {  	_ =	strace s3  }
0x95: {  	s3 =	sld [smem:$0x3FFD];
	_ =	sdelay $0x3  }
0x96: {  	_ =	strace s3  }
0x97: {  	_ =	strace $0x8FFFFFFF  }
0x98: {  	s19 =	sld [smem:$0x3FDB];
	_ =	sdelay $0x1  }
0x99: {  	s4 =	simm.s32 $_scs_section_size  }
0x9a: {  	s5 =	simm.s32 $_size__tile_overlayer_lowered;
	s6 =	simm.s32 $_tile_overlayer_lowered  }
0x9b: {  	s22 =	simm.s32 $0x1BFF;
	s21 =	sshll.u32 s6, $0x1;
	s3 =	sadd.s32 s4, s19  }
0x9c: {  	s7 =	simm.s32 $0x0;
	s20 =	sshll.u32 s5, $0x1;
	s5 =	sadd.s32 s21, s3  }
0x9d: {  	[timem:s7], [sflag:s22] =	dma.local [hbm:s5], s20  }
0x9e: {  	_ =	swait.ge [sflag:s22], s20  }
0x9f: {  	s4 =	ssub.s32 $0x0, s20;
	[sflag:s22] =	ssyncset.done $0x0  }
0xa0: {  	[sflag:s22] =	ssyncadd.s32 s4;
	_ =	sdelay $0x1  }
0xa1: {  	s23 =	simm.s32 $0x1B8B  }
0xa2: {  	_ =	swait.ge [sflag:s23], $0x1  }
0xa3: {  	[sflag:s23] =	ssyncset.done $0x0  }
0xa4: {  	s25 =	simm.s32 $0x1B8E;
	s24 =	sld [smem:$0x3FFE];
	[sflag:s23] =	ssyncadd.s32 $0xFFFFFFFF  }
0xa5: {  	s26 =	simm.s32 $execute0_lowered;
	[smem:$0x3FD2] =	sst s25  }
0xa6: {  	s5 =	sshll.u32 s26, $0x1;
	_ =	strace $0x80000046;
	[dreg:$0x1] =	wrdreg $0xFFFFFFFF  }
0xa7: {  	s28 =	simm.s32 $_size_execute0_lowered;
	s3 =	sadd.s32 s3, s5;
	[dreg:$0x0] =	wrdreg $0x0  }
0xa8: {  	s5 =	sshll.u32 s28, $0x1;
	[dreg:$0x2] =	wrdreg s3  }
0xa9: {  	[dreg:$0x3] =	wrdreg s5  }
0xaa: {  	[dreg:$0x4] =	wrdreg $0xC0  }
0xab: {  	_ =	task [dreg:s7], $0x5FFFF  }
0xac: {  	[dreg:$0x1] =	wrdreg $0xFFFFFFFF  }
0xad: {  	[dreg:$0x0] =	wrdreg $0x60  }
0xae: {  	[dreg:$0x2] =	wrdreg s24  }
0xaf: {  	[dreg:$0x3] =	wrdreg s2  }
0xb0: {  	[dreg:$0x4] =	wrdreg $0x9  }
0xb1: {  	_ =	task.clear_ibuf [dreg:s7], $0x5FFFF;
	_ =	strace $0x90000046  }
0xb2: {  	s29 =	simm.s32 $0x9;
	_ =	strace $0x80000048  }
0xb3: {  	_ =	swait.ge [sflag:s29], $0x1  }
0xb4: {  	[sflag:s29] =	ssyncadd.s32 $0xFFFFFFFF  }
0xb5: {  	_ =	strace $0x90000048  }
0xb6: {  	_ =	sfence  }
0xb7: {  	s30 =	sld [smem:$0x0];
	_ =	sdelay $0x2  }
0xb8: {  	s31 =	sshll.u32 s1, $0xD;
	s1 =	sshrl.u32 s1, $0x2  }
0xb9: {  	s3 =	sand.u32 $0x4000, s31;
	s1 =	sadd.s32 s1, s30  }
0xba: {  	s0 =	sor.u32 s3, s0;
	s1 =	sshll.u32 s1, $0x11  }
0xbb: {  	s0 =	sor.u32 s1, s0  }
0xbc: {  	s0 =	sadd.s32 $0x8F2B, s0  }
0xbd: {  	[sflag:s0] =	ssyncadd.remote.s32 $0x1  }
0xbe: {  	_ =	sfence.sel $0xFFFF  }
0xbf: {  	[dreg:$0x0] =	wrdreg $0xFFFFFFFF;
	(pc) =	sbr.abs _section_cstart, $3  }
0xc0: {  	[dreg:$0x1] =	wrdreg $0xFFFFFFFF  }
0xc1: {  	_ =	task.clear_ibuf [dreg:s7], $0x2FFFF;
	_ =	strace $0x9FFFFFFF  }
0xc2: {  	(tm) =	ssettm $0x7FFFFFFF  }
0xc3: {  	_ =	shalt  }
tec
execute0_lowered:
.L_overlay_start_1:
0x0: {  	(tag) =	ssettag $0x1  }
0x1: {  	s1 =	srdreg.scid;
	s0 =	stileid.u32  }
0x2: {  	s3 =	sand.u32 $0x1, s1;
	s13 =	sshll.u32 s0, $0x1  }
0x3: {  	s5 =	sor.u32 s3, s13  }
0x4: {  	s4 =	rddreg [dreg:$0x0];
	s7 =	smul.u32 $0x56400, s5  }
0x5: {  	s6 =	rddreg [dreg:$0x1];
	s2 =	simm.s32 $0x0  }
0x6: {  	s1 =	rddreg [dreg:$0x2];
	s5 =	sshll.u32 s5, $0x4;
	s7 =	sshrl.u32 s7, $0x3  }
0x7: {  	[smem:$0x7FF] =	sst s2;
	s5 =	sadd.s32 s6, s5;
	s7 =	sadd.s32 s7, s4  }
0x8: {  	_ =	strace $0x80000047;
	[dreg:$0x3] =	wrdreg s5;
	s14 =	sadd.s32 $0x159400, s7  }
0x9: {  	s12 =	simm.s32 $0x80;
	s15 =	sadd.s32 $0x159EC0, s7;
	[dreg:$0x4] =	wrdreg s14  }
0xa: {  	s9 =	simm.s32 $0x5780;
	s16 =	sadd.s32 $0x15A980, s7;
	[dreg:$0x5] =	wrdreg s15  }
0xb: {  	s8 =	simm.s32 $0xAE80;
	s17 =	sadd.s32 $0x15B440, s7;
	[dreg:$0x6] =	wrdreg s16  }
0xc: {  	s11 =	simm.s32 $0x3;
	s18 =	sadd.s32 $0x15BF20, s7;
	[dreg:$0x7] =	wrdreg s17  }
0xd: {  	s10 =	simm.s32 $0x4;
	s19 =	sadd.s32 $0x15C9E0, s7;
	[dreg:$0x8] =	wrdreg s18  }
0xe: {  	p0 =	por $0x0, $0x0;
	s20 =	sadd.s32 $0x15D4A0, s7;
	[dreg:$0x9] =	wrdreg s19  }
0xf: {  	s3 =	ssub.s32 $0x2, s3;
	s21 =	sadd.s32 $0x15DF60, s7;
	[dreg:$0xa] =	wrdreg s20  }
0x10: {  	s13 =	sadd.s32 $0x400, s4;
	s22 =	sadd.s32 $0x15EA40, s7;
	[dreg:$0xb] =	wrdreg s21  }
0x11: {  	s30 =	sshrl.u32 s3, $0x1;
	s23 =	sadd.s32 $0x15F500, s7;
	[dreg:$0xc] =	wrdreg s22  }
0x12: {  	s3 =	ssub.s32 s3, s30;
	s24 =	sadd.s32 $0x15FFC0, s7;
	[dreg:$0xd] =	wrdreg s23  }
0x13: {  	s6 =	simm.s32 $0x5;
	s25 =	sadd.s32 $0x160A80, s7;
	[dreg:$0xe] =	wrdreg s24  }
0x14: {  	s26 =	sadd.s32 $0x161560, s7;
	[dreg:$0xf] =	wrdreg s25;
	s17 =	smax.u32 s3, $0x1  }
0x15: {  	s28 =	sadd.s32 $0x162020, s7;
	[dreg:$0x10] =	wrdreg s26;
	p1 =	sne.s32 s17, $0x1  }
.Ltmp0:
0x16: {  	s29 =	sadd.s32 $0x162AE0, s7;
	[dreg:$0x11] =	wrdreg s28;
	(pc) =	sbr.rel @!p1 .LBB2_3-.Ltmp0, $4  }
0x17: {  	s5 =	simm.s32 $0x6;
	s31 =	sadd.s32 $0x1635A0, s7;
	[dreg:$0x12] =	wrdreg s29  }
0x18: {  	s4 =	simm.s32 $0x8;
	s7 =	simm.s32 $0x10580;
	[dreg:$0x13] =	wrdreg s31  }
0x19: {  	vm2 =	vmmov $0x1;
	s16 =	simm.s32 $0x9;
	s15 =	simm.s32 $0x1;
	s14 =	simm.s32 $0x2  }
0x1a: {  	vm3 =	vcmask $0x308;
	vm1 =	vcmask $0x70C;
	vm0 =	vcmask $0xB10;
	s3 =	simm.s32 $0x7;
	s18 =	rddreg [dreg:$0x3];
	s17 =	sadd.s32 $0xFFFFFFFF, s17  }
0x1b: {  	[tilespmem:s2], [sflag:$0x9] =	stream.linear.gather [hbm4b:s18+s2], $0x80, $0x38;
	[tilespmem:$0x15C80] =	vst v63  }
0x1c: {  	_ =	swait.ge [sflag:s16], $0x80  }
0x1d: {  	[sflag:s16] =	ssyncset.done $0x0  }
0x1e: {  	[sflag:s16] =	ssyncadd.s32 $0xFFFFFF80  }
0x1f: {  	v0 =	vld [tilespmem:$0x0];
	_ =	sdelay $0x4  }
0x20: {  	v1 =	vnsel vm2, $0x0, v0  }
0x21: {  	v1 =	vxor.u32 $0x80000000, v1  }
0x22: {  	(xrf0) =	vmax.scan.msk.u32 $0xffff, v1;
	_ =	sdelay $0x5  }
0x23: {  	v58 =	vsel vm3, $0x0, v0;
	v2, _, _ =	vpop (xrf0)  }
0x24: {  	v1 =	vxor.u32 $0x80000000, v58;
	(v2sf) =	vpush v2, $0xF  }
0x25: {  	v59 =	vsel vm1, $0x0, v0;
	(xrf0) =	vmax.scan.msk.u32 $0xffff, v1  }
0x26: {  	v60 =	vxor.u32 $0x80000000, v59  }
0x27: {  	(xrf0) =	vmax.scan.msk.u32 $0xffff, v60;
	_ =	sdelay $0x1  }
0x28: {  	v0 =	vsel vm0, $0x0, v0  }
0x29: {  	v0 =	vxor.u32 $0x80000000, v0  }
0x2a: {  	v61, _, _ =	vpop (xrf0);
	(xrf0) =	vmax.scan.msk.u32 $0xffff, v0  }
0x2b: {  	(v2sf) =	vpush v61, $0xF  }
0x2c: {  	v62, _, _ =	vpop (xrf0)  }
0x2d: {  	(v2sf) =	vpush v62, $0xF;
	_ =	sdelay $0x2  }
0x2e: {  	v63, _, _ =	vpop (xrf0)  }
0x2f: {  	(v2sf) =	vpush v63, $0xF  }
0x30: {  	s22 =	spop (v2sf)  }
0x31: {  	s18 =	smul.u32 $0x15900, s22;
	_ =	sdelay $0x1  }
0x32: {  	s19 =	sshrl.u32 s18, $0x3;
	s20 =	sadd.s32 $0x5600, s18  }
0x33: {  	s21 =	sadd.s32 $0xAC00, s18;
	s19 =	sadd.s32 s13, s19;
	s20 =	sshrl.u32 s20, $0x3  }
0x34: {  	[tilespmem:s12], [sflag:$0x1] =	stream.linear.gather [hbm4b:s19+s2], $0x5600, $0x38;
	[tilespmem:$0x15C80] =	vst v63  }
0x35: {  	s18 =	sadd.s32 $0x10200, s18;
	s23 =	sshrl.u32 s21, $0x3;
	s20 =	sadd.s32 s13, s20  }
0x36: {  	[tilespmem:s9], [sflag:$0x2] =	stream.linear.gather [hbm4b:s20+s2], $0x5600, $0x38;
	[tilespmem:$0x15C80] =	vst v63  }
0x37: {  	s18 =	sshrl.u32 s18, $0x3;
	s19 =	sadd.s32 s13, s23;
	s24 =	spop (v2sf)  }
0x38: {  	[tilespmem:s8], [sflag:$0x3] =	stream.linear.gather [hbm4b:s19+s2], $0x5600, $0x38;
	[tilespmem:$0x15C80] =	vst v63  }
0x39: {  	s18 =	sadd.s32 s13, s18;
	s25 =	spop (v2sf)  }
0x3a: {  	[tilespmem:s7], [sflag:$0x4] =	stream.linear.gather [hbm4b:s18+s2], $0x5700, $0x38;
	[tilespmem:$0x15C80] =	vst v63  }
0x3b: {  	_ =	swait.ge [sflag:s15], $0x5600  }
0x3c: {  	s20 =	smul.u32 $0x15900, s24;
	[sflag:s15] =	ssyncset.done $0x0  }
0x3d: {  	s26 =	rddreg [dreg:$0x4];
	s18 =	spop (v2sf);
	[sflag:s15] =	ssyncadd.s32 $0xFFFFAA00  }
0x3e: {  	[hbm4b:s26+s2] =	stream.linear.scatter [tilespmem:s12], [sflag:$0x5], $0x5600, $0x38;
	[tilespmem:$0x15C80] =	vst v63  }
0x3f: {  	_ =	swait.ge [sflag:s6], $0x5600  }
0x40: {  	s28 =	sshrl.u32 s20, $0x3;
	[sflag:s6] =	ssyncset.done $0x0  }
0x41: {  	s21 =	sadd.s32 s13, s28;
	[sflag:s6] =	ssyncadd.s32 $0xFFFFAA00  }
0x42: {  	[tilespmem:s12], [sflag:$0x1] =	stream.linear.gather [hbm4b:s21+s2], $0x5600, $0x38;
	[tilespmem:$0x15C80] =	vst v63  }
0x43: {  	_ =	swait.ge [sflag:s14], $0x5600  }
0x44: {  	[sflag:s14] =	ssyncset.done $0x0  }
0x45: {  	s29 =	rddreg [dreg:$0x5];
	[sflag:s14] =	ssyncadd.s32 $0xFFFFAA00  }
0x46: {  	[hbm4b:s29+s2] =	stream.linear.scatter [tilespmem:s9], [sflag:$0x6], $0x5600, $0x38;
	[tilespmem:$0x15C80] =	vst v63  }
0x47: {  	s30 =	sadd.s32 $0x5600, s20;
	_ =	swait.ge [sflag:s5], $0x5600  }
0x48: {  	s21 =	sshrl.u32 s30, $0x3;
	[sflag:s5] =	ssyncset.done $0x0  }
0x49: {  	s21 =	sadd.s32 s13, s21;
	[sflag:s5] =	ssyncadd.s32 $0xFFFFAA00  }
0x4a: {  	[tilespmem:s9], [sflag:$0x2] =	stream.linear.gather [hbm4b:s21+s2], $0x5600, $0x38;
	[tilespmem:$0x15C80] =	vst v63  }
0x4b: {  	_ =	swait.ge [sflag:s11], $0x5600  }
0x4c: {  	[sflag:s11] =	ssyncset.done $0x0  }
0x4d: {  	s31 =	rddreg [dreg:$0x6];
	[sflag:s11] =	ssyncadd.s32 $0xFFFFAA00  }
0x4e: {  	[hbm4b:s31+s2] =	stream.linear.scatter [tilespmem:s8], [sflag:$0x7], $0x5600, $0x38;
	[tilespmem:$0x15C80] =	vst v63  }
0x4f: {  	s22 =	sadd.s32 $0xAC00, s20;
	_ =	swait.ge [sflag:s3], $0x5600  }
0x50: {  	s21 =	sshrl.u32 s22, $0x3;
	[sflag:s3] =	ssyncset.done $0x0  }
0x51: {  	s21 =	sadd.s32 s13, s21;
	[sflag:s3] =	ssyncadd.s32 $0xFFFFAA00  }
0x52: {  	[tilespmem:s8], [sflag:$0x3] =	stream.linear.gather [hbm4b:s21+s2], $0x5600, $0x38;
	[tilespmem:$0x15C80] =	vst v63  }
0x53: {  	_ =	swait.ge [sflag:s10], $0x5700  }
0x54: {  	[sflag:s10] =	ssyncset.done $0x0  }
0x55: {  	s23 =	rddreg [dreg:$0x7];
	[sflag:s10] =	ssyncadd.s32 $0xFFFFA900  }
0x56: {  	[hbm4b:s23+s2] =	stream.linear.scatter [tilespmem:s7], [sflag:$0x8], $0x5700, $0x38;
	[tilespmem:$0x15C80] =	vst v63  }
0x57: {  	s20 =	sadd.s32 $0x10200, s20;
	_ =	swait.ge [sflag:s4], $0x5700  }
0x58: {  	s20 =	sshrl.u32 s20, $0x3;
	[sflag:s4] =	ssyncset.done $0x0  }
0x59: {  	s20 =	sadd.s32 s13, s20;
	[sflag:s4] =	ssyncadd.s32 $0xFFFFA900  }
0x5a: {  	[tilespmem:s7], [sflag:$0x4] =	stream.linear.gather [hbm4b:s20+s2], $0x5700, $0x38;
	[tilespmem:$0x15C80] =	vst v63  }
0x5b: {  	_ =	swait.ge [sflag:s15], $0x5600  }
0x5c: {  	[sflag:s15] =	ssyncset.done $0x0  }
0x5d: {  	s19 =	smul.u32 $0x15900, s25;
	s24 =	rddreg [dreg:$0x8];
	[sflag:s15] =	ssyncadd.s32 $0xFFFFAA00  }
0x5e: {  	[hbm4b:s24+s2] =	stream.linear.scatter [tilespmem:s12], [sflag:$0x5], $0x5600, $0x38;
	[tilespmem:$0x15C80] =	vst v63  }
0x5f: {  	_ =	swait.ge [sflag:s6], $0x5600  }
0x60: {  	s25 =	sshrl.u32 s19, $0x3;
	[sflag:s6] =	ssyncset.done $0x0  }
0x61: {  	s20 =	sadd.s32 s13, s25;
	[sflag:s6] =	ssyncadd.s32 $0xFFFFAA00  }
0x62: {  	[tilespmem:s12], [sflag:$0x1] =	stream.linear.gather [hbm4b:s20+s2], $0x5600, $0x38;
	[tilespmem:$0x15C80] =	vst v63  }
0x63: {  	_ =	swait.ge [sflag:s14], $0x5600  }
0x64: {  	[sflag:s14] =	ssyncset.done $0x0  }
0x65: {  	s26 =	rddreg [dreg:$0x9];
	[sflag:s14] =	ssyncadd.s32 $0xFFFFAA00  }
0x66: {  	[hbm4b:s26+s2] =	stream.linear.scatter [tilespmem:s9], [sflag:$0x6], $0x5600, $0x38;
	[tilespmem:$0x15C80] =	vst v63  }
0x67: {  	s28 =	sadd.s32 $0x5600, s19;
	_ =	swait.ge [sflag:s5], $0x5600  }
0x68: {  	s20 =	sshrl.u32 s28, $0x3;
	[sflag:s5] =	ssyncset.done $0x0  }
0x69: {  	s20 =	sadd.s32 s13, s20;
	[sflag:s5] =	ssyncadd.s32 $0xFFFFAA00  }
0x6a: {  	[tilespmem:s9], [sflag:$0x2] =	stream.linear.gather [hbm4b:s20+s2], $0x5600, $0x38;
	[tilespmem:$0x15C80] =	vst v63  }
0x6b: {  	_ =	swait.ge [sflag:s11], $0x5600  }
0x6c: {  	[sflag:s11] =	ssyncset.done $0x0  }
0x6d: {  	s29 =	rddreg [dreg:$0xa];
	[sflag:s11] =	ssyncadd.s32 $0xFFFFAA00  }
0x6e: {  	[hbm4b:s29+s2] =	stream.linear.scatter [tilespmem:s8], [sflag:$0x7], $0x5600, $0x38;
	[tilespmem:$0x15C80] =	vst v63  }
0x6f: {  	s30 =	sadd.s32 $0xAC00, s19;
	_ =	swait.ge [sflag:s3], $0x5600  }
0x70: {  	s20 =	sshrl.u32 s30, $0x3;
	[sflag:s3] =	ssyncset.done $0x0  }
0x71: {  	s20 =	sadd.s32 s13, s20;
	[sflag:s3] =	ssyncadd.s32 $0xFFFFAA00  }
0x72: {  	[tilespmem:s8], [sflag:$0x3] =	stream.linear.gather [hbm4b:s20+s2], $0x5600, $0x38;
	[tilespmem:$0x15C80] =	vst v63  }
0x73: {  	_ =	swait.ge [sflag:s10], $0x5700  }
0x74: {  	[sflag:s10] =	ssyncset.done $0x0  }
0x75: {  	s31 =	rddreg [dreg:$0xb];
	[sflag:s10] =	ssyncadd.s32 $0xFFFFA900  }
0x76: {  	[hbm4b:s31+s2] =	stream.linear.scatter [tilespmem:s7], [sflag:$0x8], $0x5700, $0x38;
	[tilespmem:$0x15C80] =	vst v63  }
0x77: {  	s19 =	sadd.s32 $0x10200, s19;
	_ =	swait.ge [sflag:s4], $0x5700  }
0x78: {  	s19 =	sshrl.u32 s19, $0x3;
	[sflag:s4] =	ssyncset.done $0x0  }
0x79: {  	s19 =	sadd.s32 s13, s19;
	[sflag:s4] =	ssyncadd.s32 $0xFFFFA900  }
0x7a: {  	[tilespmem:s7], [sflag:$0x4] =	stream.linear.gather [hbm4b:s19+s2], $0x5700, $0x38;
	[tilespmem:$0x15C80] =	vst v63  }
0x7b: {  	_ =	swait.ge [sflag:s15], $0x5600  }
0x7c: {  	[sflag:s15] =	ssyncset.done $0x0  }
0x7d: {  	s18 =	smul.u32 $0x15900, s18;
	s20 =	rddreg [dreg:$0xc];
	[sflag:s15] =	ssyncadd.s32 $0xFFFFAA00  }
0x7e: {  	[hbm4b:s20+s2] =	stream.linear.scatter [tilespmem:s12], [sflag:$0x5], $0x5600, $0x38;
	[tilespmem:$0x15C80] =	vst v63  }
0x7f: {  	_ =	swait.ge [sflag:s6], $0x5600  }
0x80: {  	s21 =	sshrl.u32 s18, $0x3;
	[sflag:s6] =	ssyncset.done $0x0  }
0x81: {  	s19 =	sadd.s32 s13, s21;
	[sflag:s6] =	ssyncadd.s32 $0xFFFFAA00  }
0x82: {  	[tilespmem:s12], [sflag:$0x1] =	stream.linear.gather [hbm4b:s19+s2], $0x5600, $0x38;
	[tilespmem:$0x15C80] =	vst v63  }
0x83: {  	_ =	swait.ge [sflag:s14], $0x5600  }
0x84: {  	[sflag:s14] =	ssyncset.done $0x0  }
0x85: {  	s22 =	rddreg [dreg:$0xd];
	[sflag:s14] =	ssyncadd.s32 $0xFFFFAA00  }
0x86: {  	[hbm4b:s22+s2] =	stream.linear.scatter [tilespmem:s9], [sflag:$0x6], $0x5600, $0x38;
	[tilespmem:$0x15C80] =	vst v63  }
0x87: {  	s23 =	sadd.s32 $0x5600, s18;
	_ =	swait.ge [sflag:s5], $0x5600  }
0x88: {  	s19 =	sshrl.u32 s23, $0x3;
	[sflag:s5] =	ssyncset.done $0x0  }
0x89: {  	s19 =	sadd.s32 s13, s19;
	[sflag:s5] =	ssyncadd.s32 $0xFFFFAA00  }
0x8a: {  	[tilespmem:s9], [sflag:$0x2] =	stream.linear.gather [hbm4b:s19+s2], $0x5600, $0x38;
	[tilespmem:$0x15C80] =	vst v63  }
0x8b: {  	_ =	swait.ge [sflag:s11], $0x5600  }
0x8c: {  	[sflag:s11] =	ssyncset.done $0x0  }
0x8d: {  	s24 =	rddreg [dreg:$0xe];
	[sflag:s11] =	ssyncadd.s32 $0xFFFFAA00  }
0x8e: {  	[hbm4b:s24+s2] =	stream.linear.scatter [tilespmem:s8], [sflag:$0x7], $0x5600, $0x38;
	[tilespmem:$0x15C80] =	vst v63  }
0x8f: {  	s25 =	sadd.s32 $0xAC00, s18;
	_ =	swait.ge [sflag:s3], $0x5600  }
0x90: {  	s19 =	sshrl.u32 s25, $0x3;
	[sflag:s3] =	ssyncset.done $0x0  }
0x91: {  	s19 =	sadd.s32 s13, s19;
	[sflag:s3] =	ssyncadd.s32 $0xFFFFAA00  }
0x92: {  	[tilespmem:s8], [sflag:$0x3] =	stream.linear.gather [hbm4b:s19+s2], $0x5600, $0x38;
	[tilespmem:$0x15C80] =	vst v63  }
0x93: {  	_ =	swait.ge [sflag:s10], $0x5700  }
0x94: {  	[sflag:s10] =	ssyncset.done $0x0  }
0x95: {  	s26 =	rddreg [dreg:$0xf];
	[sflag:s10] =	ssyncadd.s32 $0xFFFFA900  }
0x96: {  	[hbm4b:s26+s2] =	stream.linear.scatter [tilespmem:s7], [sflag:$0x8], $0x5700, $0x38;
	[tilespmem:$0x15C80] =	vst v63  }
0x97: {  	s18 =	sadd.s32 $0x10200, s18;
	_ =	swait.ge [sflag:s4], $0x5700  }
0x98: {  	s18 =	sshrl.u32 s18, $0x3;
	[sflag:s4] =	ssyncset.done $0x0  }
0x99: {  	s18 =	sadd.s32 s13, s18;
	[sflag:s4] =	ssyncadd.s32 $0xFFFFA900  }
0x9a: {  	[tilespmem:s7], [sflag:$0x4] =	stream.linear.gather [hbm4b:s18+s2], $0x5700, $0x38;
	[tilespmem:$0x15C80] =	vst v63  }
0x9b: {  	_ =	swait.ge [sflag:s15], $0x5600  }
0x9c: {  	[sflag:s15] =	ssyncset.done $0x0  }
0x9d: {  	s28 =	rddreg [dreg:$0x10];
	[sflag:s15] =	ssyncadd.s32 $0xFFFFAA00  }
0x9e: {  	[hbm4b:s28+s2] =	stream.linear.scatter [tilespmem:s12], [sflag:$0x5], $0x5600, $0x38;
	[tilespmem:$0x15C80] =	vst v63  }
0x9f: {  	_ =	swait.ge [sflag:s14], $0x5600  }
0xa0: {  	[sflag:s14] =	ssyncset.done $0x0  }
0xa1: {  	s29 =	rddreg [dreg:$0x11];
	[sflag:s14] =	ssyncadd.s32 $0xFFFFAA00  }
0xa2: {  	[hbm4b:s29+s2] =	stream.linear.scatter [tilespmem:s9], [sflag:$0x6], $0x5600, $0x38;
	[tilespmem:$0x15C80] =	vst v63  }
0xa3: {  	_ =	swait.ge [sflag:s11], $0x5600  }
0xa4: {  	[sflag:s11] =	ssyncset.done $0x0  }
0xa5: {  	s30 =	rddreg [dreg:$0x12];
	[sflag:s11] =	ssyncadd.s32 $0xFFFFAA00  }
0xa6: {  	[hbm4b:s30+s2] =	stream.linear.scatter [tilespmem:s8], [sflag:$0x7], $0x5600, $0x38;
	[tilespmem:$0x15C80] =	vst v63  }
0xa7: {  	_ =	swait.ge [sflag:s10], $0x5700  }
0xa8: {  	[sflag:s10] =	ssyncset.done $0x0  }
0xa9: {  	s31 =	rddreg [dreg:$0x13];
	[sflag:s10] =	ssyncadd.s32 $0xFFFFA900  }
0xaa: {  	[hbm4b:s31+s2] =	stream.linear.scatter [tilespmem:s7], [sflag:$0x8], $0x5700, $0x38;
	[tilespmem:$0x15C80] =	vst v63  }
0xab: {  	_ =	swait.ge [sflag:s6], $0x5600  }
0xac: {  	[sflag:s6] =	ssyncset.done $0x0  }
0xad: {  	[sflag:s6] =	ssyncadd.s32 $0xFFFFAA00  }
0xae: {  	_ =	swait.ge [sflag:s5], $0x5600  }
0xaf: {  	[sflag:s5] =	ssyncset.done $0x0  }
0xb0: {  	p1 =	sne.s32 s17, $0x1;
	[sflag:s5] =	ssyncadd.s32 $0xFFFFAA00  }
.Ltmp1:
0xb1: {  	_ =	swait.ge [sflag:s3], $0x5600;
	(pc) =	sbr.rel @!p1 .LBB2_3-.Ltmp1, $4  }
0xb2: {  	[sflag:s3] =	ssyncset.done $0x0  }
0xb3: {  	[sflag:s3] =	ssyncadd.s32 $0xFFFFAA00  }
0xb4: {  	s17 =	sadd.s32 $0xFFFFFFFF, s17;
	_ =	swait.ge [sflag:s4], $0x5700  }
0xb5: {  	p0 =	por $0x1, $0x1;
	s18 =	rddreg [dreg:$0x3];
	[sflag:s4] =	ssyncset.done $0x0  }
.LBB2_2:
0xb6: {  	[sflag:s4] =	ssyncadd.s32 $0xFFFFA900  }
0xb7: {  	[tilespmem:s2], [sflag:$0x9] =	stream.linear.gather [hbm4b:s18+s2], $0x80, $0x38;
	[tilespmem:$0x15C80] =	vst v63  }
0xb8: {  	_ =	swait.ge [sflag:s16], $0x80  }
0xb9: {  	[sflag:s16] =	ssyncset.done $0x0  }
0xba: {  	[sflag:s16] =	ssyncadd.s32 $0xFFFFFF80  }
0xbb: {  	v0 =	vld [tilespmem:$0x0];
	_ =	sdelay $0x4  }
0xbc: {  	v1 =	vnsel vm2, $0x0, v0  }
0xbd: {  	v2 =	vsel vm3, $0x0, v0;
	v1 =	vxor.u32 $0x80000000, v1  }
0xbe: {  	v2 =	vxor.u32 $0x80000000, v2;
	(xrf0) =	vmax.scan.msk.u32 $0xffff, v1  }
0xbf: {  	v3 =	vsel vm1, $0x0, v0;
	(xrf0) =	vmax.scan.msk.u32 $0xffff, v2  }
0xc0: {  	v3 =	vxor.u32 $0x80000000, v3  }
0xc1: {  	(xrf0) =	vmax.scan.msk.u32 $0xffff, v3;
	_ =	sdelay $0x2  }
0xc2: {  	v60, _, _ =	vpop (xrf0)  }
0xc3: {  	(v2sf) =	vpush v60, $0xF;
	v61, _, _ =	vpop (xrf0)  }
0xc4: {  	(v2sf) =	vpush v61, $0xF  }
0xc5: {  	v62, _, _ =	vpop (xrf0)  }
0xc6: {  	(v2sf) =	vpush v62, $0xF;
	_ =	sdelay $0x1  }
0xc7: {  	v0 =	vsel vm0, $0x0, v0  }
0xc8: {  	v0 =	vxor.u32 $0x80000000, v0  }
0xc9: {  	(xrf0) =	vmax.scan.msk.u32 $0xffff, v0;
	_ =	sdelay $0x5  }
0xca: {  	v63, _, _ =	vpop (xrf0)  }
0xcb: {  	(v2sf) =	vpush v63, $0xF  }
0xcc: {  	s26 =	spop (v2sf)  }
0xcd: {  	s18 =	smul.u32 $0x15900, s26;
	s19 =	spop (v2sf)  }
0xce: {  	s19 =	smul.u32 $0x15900, s19  }
0xcf: {  	s20 =	spop (v2sf);
	s21 =	sshrl.u32 s18, $0x3;
	s22 =	sadd.s32 $0x5600, s18  }
0xd0: {  	s23 =	sadd.s32 $0xAC00, s18;
	s21 =	sadd.s32 s13, s21;
	s22 =	sshrl.u32 s22, $0x3  }
0xd1: {  	[tilespmem:s12], [sflag:$0x1] =	stream.linear.gather [hbm4b:s21+s2], $0x5600, $0x38;
	[tilespmem:$0x15C80] =	vst v63  }
0xd2: {  	s18 =	sadd.s32 $0x10200, s18;
	s23 =	sshrl.u32 s23, $0x3;
	s28 =	sadd.s32 s13, s22  }
0xd3: {  	[tilespmem:s9], [sflag:$0x2] =	stream.linear.gather [hbm4b:s28+s2], $0x5600, $0x38;
	[tilespmem:$0x15C80] =	vst v63  }
0xd4: {  	s18 =	sshrl.u32 s18, $0x3;
	s30 =	sadd.s32 $0x5600, s19;
	s29 =	sadd.s32 s13, s23  }
0xd5: {  	[tilespmem:s8], [sflag:$0x3] =	stream.linear.gather [hbm4b:s29+s2], $0x5600, $0x38;
	[tilespmem:$0x15C80] =	vst v63  }
0xd6: {  	s31 =	sadd.s32 $0xAC00, s19;
	s18 =	sadd.s32 s13, s18;
	s23 =	sadd.s32 $0x10200, s19  }
0xd7: {  	[tilespmem:s7], [sflag:$0x4] =	stream.linear.gather [hbm4b:s18+s2], $0x5700, $0x38;
	[tilespmem:$0x15C80] =	vst v63  }
0xd8: {  	s22 =	sshrl.u32 s19, $0x3;
	s26 =	sshrl.u32 s23, $0x3;
	_ =	swait.ge [sflag:s15], $0x5600  }
0xd9: {  	s29 =	sshrl.u32 s30, $0x3;
	s30 =	smul.u32 $0x15900, s20;
	[sflag:s15] =	ssyncset.done $0x0  }
0xda: {  	s24 =	rddreg [dreg:$0x4];
	s20 =	spop (v2sf);
	[sflag:s15] =	ssyncadd.s32 $0xFFFFAA00  }
0xdb: {  	[hbm4b:s24+s2] =	stream.linear.scatter [tilespmem:s12], [sflag:$0x5], $0x5600, $0x38;
	[tilespmem:$0x15C80] =	vst v63  }
0xdc: {  	s28 =	sshrl.u32 s31, $0x3;
	s25 =	sshrl.u32 s30, $0x3;
	_ =	swait.ge [sflag:s6], $0x5600  }
0xdd: {  	s31 =	sadd.s32 $0x5600, s30;
	s23 =	sadd.s32 $0xAC00, s30;
	[sflag:s6] =	ssyncset.done $0x0  }
0xde: {  	s18 =	sadd.s32 $0x10200, s30;
	s30 =	sadd.s32 s13, s22;
	[sflag:s6] =	ssyncadd.s32 $0xFFFFAA00  }
0xdf: {  	[tilespmem:s12], [sflag:$0x1] =	stream.linear.gather [hbm4b:s30+s2], $0x5600, $0x38;
	[tilespmem:$0x15C80] =	vst v63  }
0xe0: {  	_ =	swait.ge [sflag:s14], $0x5600  }
0xe1: {  	[sflag:s14] =	ssyncset.done $0x0  }
0xe2: {  	s24 =	sshrl.u32 s31, $0x3;
	s31 =	rddreg [dreg:$0x5];
	[sflag:s14] =	ssyncadd.s32 $0xFFFFAA00  }
0xe3: {  	[hbm4b:s31+s2] =	stream.linear.scatter [tilespmem:s9], [sflag:$0x6], $0x5600, $0x38;
	[tilespmem:$0x15C80] =	vst v63  }
0xe4: {  	_ =	swait.ge [sflag:s5], $0x5600  }
0xe5: {  	s29 =	sadd.s32 s13, s29;
	[sflag:s5] =	ssyncset.done $0x0  }
0xe6: {  	s22 =	sshrl.u32 s18, $0x3;
	s18 =	smul.u32 $0x15900, s20;
	[sflag:s5] =	ssyncadd.s32 $0xFFFFAA00  }
0xe7: {  	[tilespmem:s9], [sflag:$0x2] =	stream.linear.gather [hbm4b:s29+s2], $0x5600, $0x38;
	[tilespmem:$0x15C80] =	vst v63  }
0xe8: {  	_ =	swait.ge [sflag:s11], $0x5600  }
0xe9: {  	s30 =	sadd.s32 $0xAC00, s18;
	[sflag:s11] =	ssyncset.done $0x0  }
0xea: {  	s19 =	sshrl.u32 s30, $0x3;
	s30 =	rddreg [dreg:$0x6];
	[sflag:s11] =	ssyncadd.s32 $0xFFFFAA00  }
0xeb: {  	[hbm4b:s30+s2] =	stream.linear.scatter [tilespmem:s8], [sflag:$0x7], $0x5600, $0x38;
	[tilespmem:$0x15C80] =	vst v63  }
0xec: {  	_ =	swait.ge [sflag:s3], $0x5600  }
0xed: {  	[sflag:s3] =	ssyncset.done $0x0  }
0xee: {  	s28 =	sadd.s32 s13, s28;
	[sflag:s3] =	ssyncadd.s32 $0xFFFFAA00  }
0xef: {  	[tilespmem:s8], [sflag:$0x3] =	stream.linear.gather [hbm4b:s28+s2], $0x5600, $0x38;
	[tilespmem:$0x15C80] =	vst v63  }
0xf0: {  	_ =	swait.ge [sflag:s10], $0x5700  }
0xf1: {  	[sflag:s10] =	ssyncset.done $0x0  }
0xf2: {  	s31 =	rddreg [dreg:$0x7];
	[sflag:s10] =	ssyncadd.s32 $0xFFFFA900  }
0xf3: {  	[hbm4b:s31+s2] =	stream.linear.scatter [tilespmem:s7], [sflag:$0x8], $0x5700, $0x38;
	[tilespmem:$0x15C80] =	vst v63  }
0xf4: {  	_ =	swait.ge [sflag:s4], $0x5700  }
0xf5: {  	[sflag:s4] =	ssyncset.done $0x0  }
0xf6: {  	s26 =	sadd.s32 s13, s26;
	[sflag:s4] =	ssyncadd.s32 $0xFFFFA900  }
0xf7: {  	[tilespmem:s7], [sflag:$0x4] =	stream.linear.gather [hbm4b:s26+s2], $0x5700, $0x38;
	[tilespmem:$0x15C80] =	vst v63  }
0xf8: {  	_ =	swait.ge [sflag:s15], $0x5600  }
0xf9: {  	[sflag:s15] =	ssyncset.done $0x0  }
0xfa: {  	s28 =	rddreg [dreg:$0x8];
	[sflag:s15] =	ssyncadd.s32 $0xFFFFAA00  }
0xfb: {  	[hbm4b:s28+s2] =	stream.linear.scatter [tilespmem:s12], [sflag:$0x5], $0x5600, $0x38;
	[tilespmem:$0x15C80] =	vst v63  }
0xfc: {  	_ =	swait.ge [sflag:s6], $0x5600  }
0xfd: {  	[sflag:s6] =	ssyncset.done $0x0  }
0xfe: {  	s25 =	sadd.s32 s13, s25;
	[sflag:s6] =	ssyncadd.s32 $0xFFFFAA00  }
0xff: {  	[tilespmem:s12], [sflag:$0x1] =	stream.linear.gather [hbm4b:s25+s2], $0x5600, $0x38;
	[tilespmem:$0x15C80] =	vst v63  }
0x100: {  	_ =	swait.ge [sflag:s14], $0x5600  }
0x101: {  	[sflag:s14] =	ssyncset.done $0x0  }
0x102: {  	s29 =	rddreg [dreg:$0x9];
	[sflag:s14] =	ssyncadd.s32 $0xFFFFAA00  }
0x103: {  	[hbm4b:s29+s2] =	stream.linear.scatter [tilespmem:s9], [sflag:$0x6], $0x5600, $0x38;
	[tilespmem:$0x15C80] =	vst v63  }
0x104: {  	_ =	swait.ge [sflag:s5], $0x5600  }
0x105: {  	[sflag:s5] =	ssyncset.done $0x0  }
0x106: {  	s24 =	sadd.s32 s13, s24;
	[sflag:s5] =	ssyncadd.s32 $0xFFFFAA00  }
0x107: {  	[tilespmem:s9], [sflag:$0x2] =	stream.linear.gather [hbm4b:s24+s2], $0x5600, $0x38;
	[tilespmem:$0x15C80] =	vst v63  }
0x108: {  	_ =	swait.ge [sflag:s11], $0x5600  }
0x109: {  	[sflag:s11] =	ssyncset.done $0x0  }
0x10a: {  	s30 =	rddreg [dreg:$0xa];
	[sflag:s11] =	ssyncadd.s32 $0xFFFFAA00  }
0x10b: {  	[hbm4b:s30+s2] =	stream.linear.scatter [tilespmem:s8], [sflag:$0x7], $0x5600, $0x38;
	[tilespmem:$0x15C80] =	vst v63  }
0x10c: {  	_ =	swait.ge [sflag:s3], $0x5600  }
0x10d: {  	s23 =	sshrl.u32 s23, $0x3;
	[sflag:s3] =	ssyncset.done $0x0  }
0x10e: {  	s23 =	sadd.s32 s13, s23;
	[sflag:s3] =	ssyncadd.s32 $0xFFFFAA00  }
0x10f: {  	[tilespmem:s8], [sflag:$0x3] =	stream.linear.gather [hbm4b:s23+s2], $0x5600, $0x38;
	[tilespmem:$0x15C80] =	vst v63  }
0x110: {  	_ =	swait.ge [sflag:s10], $0x5700  }
0x111: {  	[sflag:s10] =	ssyncset.done $0x0  }
0x112: {  	s31 =	rddreg [dreg:$0xb];
	[sflag:s10] =	ssyncadd.s32 $0xFFFFA900  }
0x113: {  	[hbm4b:s31+s2] =	stream.linear.scatter [tilespmem:s7], [sflag:$0x8], $0x5700, $0x38;
	[tilespmem:$0x15C80] =	vst v63  }
0x114: {  	_ =	swait.ge [sflag:s4], $0x5700  }
0x115: {  	[sflag:s4] =	ssyncset.done $0x0  }
0x116: {  	s22 =	sadd.s32 s13, s22;
	[sflag:s4] =	ssyncadd.s32 $0xFFFFA900  }
0x117: {  	[tilespmem:s7], [sflag:$0x4] =	stream.linear.gather [hbm4b:s22+s2], $0x5700, $0x38;
	[tilespmem:$0x15C80] =	vst v63  }
0x118: {  	_ =	swait.ge [sflag:s15], $0x5600  }
0x119: {  	[sflag:s15] =	ssyncset.done $0x0  }
0x11a: {  	s23 =	rddreg [dreg:$0xc];
	[sflag:s15] =	ssyncadd.s32 $0xFFFFAA00  }
0x11b: {  	[hbm4b:s23+s2] =	stream.linear.scatter [tilespmem:s12], [sflag:$0x5], $0x5600, $0x38;
	[tilespmem:$0x15C80] =	vst v63  }
0x11c: {  	_ =	swait.ge [sflag:s6], $0x5600  }
0x11d: {  	s21 =	sshrl.u32 s18, $0x3;
	[sflag:s6] =	ssyncset.done $0x0  }
0x11e: {  	s21 =	sadd.s32 s13, s21;
	[sflag:s6] =	ssyncadd.s32 $0xFFFFAA00  }
0x11f: {  	[tilespmem:s12], [sflag:$0x1] =	stream.linear.gather [hbm4b:s21+s2], $0x5600, $0x38;
	[tilespmem:$0x15C80] =	vst v63  }
0x120: {  	_ =	swait.ge [sflag:s14], $0x5600  }
0x121: {  	[sflag:s14] =	ssyncset.done $0x0  }
0x122: {  	s24 =	rddreg [dreg:$0xd];
	[sflag:s14] =	ssyncadd.s32 $0xFFFFAA00  }
0x123: {  	[hbm4b:s24+s2] =	stream.linear.scatter [tilespmem:s9], [sflag:$0x6], $0x5600, $0x38;
	[tilespmem:$0x15C80] =	vst v63  }
0x124: {  	s20 =	sadd.s32 $0x5600, s18;
	_ =	swait.ge [sflag:s5], $0x5600  }
0x125: {  	s20 =	sshrl.u32 s20, $0x3;
	[sflag:s5] =	ssyncset.done $0x0  }
0x126: {  	s20 =	sadd.s32 s13, s20;
	[sflag:s5] =	ssyncadd.s32 $0xFFFFAA00  }
0x127: {  	[tilespmem:s9], [sflag:$0x2] =	stream.linear.gather [hbm4b:s20+s2], $0x5600, $0x38;
	[tilespmem:$0x15C80] =	vst v63  }
0x128: {  	_ =	swait.ge [sflag:s11], $0x5600  }
0x129: {  	[sflag:s11] =	ssyncset.done $0x0  }
0x12a: {  	s25 =	rddreg [dreg:$0xe];
	[sflag:s11] =	ssyncadd.s32 $0xFFFFAA00  }
0x12b: {  	[hbm4b:s25+s2] =	stream.linear.scatter [tilespmem:s8], [sflag:$0x7], $0x5600, $0x38;
	[tilespmem:$0x15C80] =	vst v63  }
0x12c: {  	_ =	swait.ge [sflag:s3], $0x5600  }
0x12d: {  	[sflag:s3] =	ssyncset.done $0x0  }
0x12e: {  	s19 =	sadd.s32 s13, s19;
	[sflag:s3] =	ssyncadd.s32 $0xFFFFAA00  }
0x12f: {  	[tilespmem:s8], [sflag:$0x3] =	stream.linear.gather [hbm4b:s19+s2], $0x5600, $0x38;
	[tilespmem:$0x15C80] =	vst v63  }
0x130: {  	_ =	swait.ge [sflag:s10], $0x5700  }
0x131: {  	[sflag:s10] =	ssyncset.done $0x0  }
0x132: {  	s26 =	rddreg [dreg:$0xf];
	[sflag:s10] =	ssyncadd.s32 $0xFFFFA900  }
0x133: {  	[hbm4b:s26+s2] =	stream.linear.scatter [tilespmem:s7], [sflag:$0x8], $0x5700, $0x38;
	[tilespmem:$0x15C80] =	vst v63  }
0x134: {  	s18 =	sadd.s32 $0x10200, s18;
	_ =	swait.ge [sflag:s4], $0x5700  }
0x135: {  	s18 =	sshrl.u32 s18, $0x3;
	[sflag:s4] =	ssyncset.done $0x0  }
0x136: {  	s18 =	sadd.s32 s13, s18;
	[sflag:s4] =	ssyncadd.s32 $0xFFFFA900  }
0x137: {  	[tilespmem:s7], [sflag:$0x4] =	stream.linear.gather [hbm4b:s18+s2], $0x5700, $0x38;
	[tilespmem:$0x15C80] =	vst v63  }
0x138: {  	_ =	swait.ge [sflag:s15], $0x5600  }
0x139: {  	[sflag:s15] =	ssyncset.done $0x0  }
0x13a: {  	s28 =	rddreg [dreg:$0x10];
	[sflag:s15] =	ssyncadd.s32 $0xFFFFAA00  }
0x13b: {  	[hbm4b:s28+s2] =	stream.linear.scatter [tilespmem:s12], [sflag:$0x5], $0x5600, $0x38;
	[tilespmem:$0x15C80] =	vst v63  }
0x13c: {  	_ =	swait.ge [sflag:s14], $0x5600  }
0x13d: {  	[sflag:s14] =	ssyncset.done $0x0  }
0x13e: {  	s29 =	rddreg [dreg:$0x11];
	[sflag:s14] =	ssyncadd.s32 $0xFFFFAA00  }
0x13f: {  	[hbm4b:s29+s2] =	stream.linear.scatter [tilespmem:s9], [sflag:$0x6], $0x5600, $0x38;
	[tilespmem:$0x15C80] =	vst v63  }
0x140: {  	_ =	swait.ge [sflag:s11], $0x5600  }
0x141: {  	[sflag:s11] =	ssyncset.done $0x0  }
0x142: {  	s30 =	rddreg [dreg:$0x12];
	[sflag:s11] =	ssyncadd.s32 $0xFFFFAA00  }
0x143: {  	[hbm4b:s30+s2] =	stream.linear.scatter [tilespmem:s8], [sflag:$0x7], $0x5600, $0x38;
	[tilespmem:$0x15C80] =	vst v63  }
0x144: {  	_ =	swait.ge [sflag:s10], $0x5700  }
0x145: {  	[sflag:s10] =	ssyncset.done $0x0  }
0x146: {  	s31 =	rddreg [dreg:$0x13];
	[sflag:s10] =	ssyncadd.s32 $0xFFFFA900  }
0x147: {  	[hbm4b:s31+s2] =	stream.linear.scatter [tilespmem:s7], [sflag:$0x8], $0x5700, $0x38;
	[tilespmem:$0x15C80] =	vst v63  }
0x148: {  	_ =	swait.ge [sflag:s6], $0x5600  }
0x149: {  	[sflag:s6] =	ssyncset.done $0x0  }
0x14a: {  	[sflag:s6] =	ssyncadd.s32 $0xFFFFAA00  }
0x14b: {  	_ =	swait.ge [sflag:s5], $0x5600  }
0x14c: {  	[sflag:s5] =	ssyncset.done $0x0  }
0x14d: {  	p1 =	sne.s32 s17, $0x1;
	[sflag:s5] =	ssyncadd.s32 $0xFFFFAA00  }
.Ltmp2:
0x14e: {  	_ =	swait.ge [sflag:s3], $0x5600;
	(pc) =	sbr.rel @p1 .LBB2_2-.Ltmp2, $4  }
0x14f: {  	[sflag:s3] =	ssyncset.done $0x0  }
0x150: {  	[sflag:s3] =	ssyncadd.s32 $0xFFFFAA00  }
0x151: {  	_ =	swait.ge [sflag:s4], $0x5700  }
0x152: {  	s17 =	sadd.s32 $0xFFFFFFFF, s17;
	s18 =	rddreg [dreg:$0x3];
	[sflag:s4] =	ssyncset.done $0x0  }
.LBB2_3:
0x153: {  	[sflag:s4] =	ssyncadd.s32 @p0 $0xFFFFA900  }
0x154: {  	[tilespmem:s2], [sflag:$0x9] =	stream.linear.gather [hbm4b:s18+s2], $0x80, $0x38;
	[tilespmem:$0x15C80] =	vst v63  }
0x155: {  	_ =	swait.ge [sflag:s16], $0x80  }
0x156: {  	[sflag:s16] =	ssyncset.done $0x0  }
0x157: {  	[sflag:s16] =	ssyncadd.s32 $0xFFFFFF80  }
0x158: {  	v0 =	vld [tilespmem:$0x0];
	_ =	sdelay $0x4  }
0x159: {  	v1 =	vnsel vm2, $0x0, v0  }
0x15a: {  	v1 =	vxor.u32 $0x80000000, v1  }
0x15b: {  	(xrf0) =	vmax.scan.msk.u32 $0xffff, v1;
	_ =	sdelay $0x5  }
0x15c: {  	v58 =	vsel vm3, $0x0, v0;
	v2, _, _ =	vpop (xrf0)  }
0x15d: {  	v1 =	vxor.u32 $0x80000000, v58;
	(v2sf) =	vpush v2, $0xF  }
0x15e: {  	v59 =	vsel vm1, $0x0, v0;
	(xrf0) =	vmax.scan.msk.u32 $0xffff, v1  }
0x15f: {  	v60 =	vxor.u32 $0x80000000, v59  }
0x160: {  	(xrf0) =	vmax.scan.msk.u32 $0xffff, v60;
	_ =	sdelay $0x1  }
0x161: {  	v0 =	vsel vm0, $0x0, v0  }
0x162: {  	v0 =	vxor.u32 $0x80000000, v0  }
0x163: {  	v61, _, _ =	vpop (xrf0);
	(xrf0) =	vmax.scan.msk.u32 $0xffff, v0  }
0x164: {  	(v2sf) =	vpush v61, $0xF  }
0x165: {  	v62, _, _ =	vpop (xrf0)  }
0x166: {  	(v2sf) =	vpush v62, $0xF;
	_ =	sdelay $0x2  }
0x167: {  	v63, _, _ =	vpop (xrf0)  }
0x168: {  	(v2sf) =	vpush v63, $0xF  }
0x169: {  	s23 =	spop (v2sf)  }
0x16a: {  	s16 =	smul.u32 $0x15900, s23;
	_ =	sdelay $0x1  }
0x16b: {  	s17 =	sshrl.u32 s16, $0x3;
	s24 =	sadd.s32 $0x5600, s16  }
0x16c: {  	s19 =	sadd.s32 $0xAC00, s16;
	s17 =	sadd.s32 s13, s17;
	s18 =	sshrl.u32 s24, $0x3  }
0x16d: {  	[tilespmem:s12], [sflag:$0x1] =	stream.linear.gather [hbm4b:s17+s2], $0x5600, $0x38;
	[tilespmem:$0x15C80] =	vst v63  }
0x16e: {  	s16 =	sadd.s32 $0x10200, s16;
	s25 =	sshrl.u32 s19, $0x3;
	s18 =	sadd.s32 s13, s18  }
0x16f: {  	[tilespmem:s9], [sflag:$0x2] =	stream.linear.gather [hbm4b:s18+s2], $0x5600, $0x38;
	[tilespmem:$0x15C80] =	vst v63  }
0x170: {  	s16 =	sshrl.u32 s16, $0x3;
	s17 =	sadd.s32 s13, s25;
	s26 =	spop (v2sf)  }
0x171: {  	[tilespmem:s8], [sflag:$0x3] =	stream.linear.gather [hbm4b:s17+s2], $0x5600, $0x38;
	[tilespmem:$0x15C80] =	vst v63  }
0x172: {  	s16 =	sadd.s32 s13, s16;
	s28 =	spop (v2sf)  }
0x173: {  	[tilespmem:s7], [sflag:$0x4] =	stream.linear.gather [hbm4b:s16+s2], $0x5700, $0x38;
	[tilespmem:$0x15C80] =	vst v63  }
0x174: {  	_ =	swait.ge [sflag:s15], $0x5600  }
0x175: {  	s18 =	smul.u32 $0x15900, s26;
	[sflag:s15] =	ssyncset.done $0x0  }
0x176: {  	s29 =	rddreg [dreg:$0x4];
	s16 =	spop (v2sf);
	[sflag:s15] =	ssyncadd.s32 $0xFFFFAA00  }
0x177: {  	[hbm4b:s29+s2] =	stream.linear.scatter [tilespmem:s12], [sflag:$0x5], $0x5600, $0x38;
	[tilespmem:$0x15C80] =	vst v63  }
0x178: {  	_ =	swait.ge [sflag:s6], $0x5600  }
0x179: {  	s30 =	sshrl.u32 s18, $0x3;
	[sflag:s6] =	ssyncset.done $0x0  }
0x17a: {  	s19 =	sadd.s32 s13, s30;
	[sflag:s6] =	ssyncadd.s32 $0xFFFFAA00  }
0x17b: {  	[tilespmem:s12], [sflag:$0x1] =	stream.linear.gather [hbm4b:s19+s2], $0x5600, $0x38;
	[tilespmem:$0x15C80] =	vst v63  }
0x17c: {  	_ =	swait.ge [sflag:s14], $0x5600  }
0x17d: {  	[sflag:s14] =	ssyncset.done $0x0  }
0x17e: {  	s31 =	rddreg [dreg:$0x5];
	[sflag:s14] =	ssyncadd.s32 $0xFFFFAA00  }
0x17f: {  	[hbm4b:s31+s2] =	stream.linear.scatter [tilespmem:s9], [sflag:$0x6], $0x5600, $0x38;
	[tilespmem:$0x15C80] =	vst v63  }
0x180: {  	s20 =	sadd.s32 $0x5600, s18;
	_ =	swait.ge [sflag:s5], $0x5600  }
0x181: {  	s19 =	sshrl.u32 s20, $0x3;
	[sflag:s5] =	ssyncset.done $0x0  }
0x182: {  	s19 =	sadd.s32 s13, s19;
	[sflag:s5] =	ssyncadd.s32 $0xFFFFAA00  }
0x183: {  	[tilespmem:s9], [sflag:$0x2] =	stream.linear.gather [hbm4b:s19+s2], $0x5600, $0x38;
	[tilespmem:$0x15C80] =	vst v63  }
0x184: {  	_ =	swait.ge [sflag:s11], $0x5600  }
0x185: {  	[sflag:s11] =	ssyncset.done $0x0  }
0x186: {  	s21 =	rddreg [dreg:$0x6];
	[sflag:s11] =	ssyncadd.s32 $0xFFFFAA00  }
0x187: {  	[hbm4b:s21+s2] =	stream.linear.scatter [tilespmem:s8], [sflag:$0x7], $0x5600, $0x38;
	[tilespmem:$0x15C80] =	vst v63  }
0x188: {  	s22 =	sadd.s32 $0xAC00, s18;
	_ =	swait.ge [sflag:s3], $0x5600  }
0x189: {  	s19 =	sshrl.u32 s22, $0x3;
	[sflag:s3] =	ssyncset.done $0x0  }
0x18a: {  	s19 =	sadd.s32 s13, s19;
	[sflag:s3] =	ssyncadd.s32 $0xFFFFAA00  }
0x18b: {  	[tilespmem:s8], [sflag:$0x3] =	stream.linear.gather [hbm4b:s19+s2], $0x5600, $0x38;
	[tilespmem:$0x15C80] =	vst v63  }
0x18c: {  	_ =	swait.ge [sflag:s10], $0x5700  }
0x18d: {  	[sflag:s10] =	ssyncset.done $0x0  }
0x18e: {  	s23 =	rddreg [dreg:$0x7];
	[sflag:s10] =	ssyncadd.s32 $0xFFFFA900  }
0x18f: {  	[hbm4b:s23+s2] =	stream.linear.scatter [tilespmem:s7], [sflag:$0x8], $0x5700, $0x38;
	[tilespmem:$0x15C80] =	vst v63  }
0x190: {  	s18 =	sadd.s32 $0x10200, s18;
	_ =	swait.ge [sflag:s4], $0x5700  }
0x191: {  	s18 =	sshrl.u32 s18, $0x3;
	[sflag:s4] =	ssyncset.done $0x0  }
0x192: {  	s18 =	sadd.s32 s13, s18;
	[sflag:s4] =	ssyncadd.s32 $0xFFFFA900  }
0x193: {  	[tilespmem:s7], [sflag:$0x4] =	stream.linear.gather [hbm4b:s18+s2], $0x5700, $0x38;
	[tilespmem:$0x15C80] =	vst v63  }
0x194: {  	_ =	swait.ge [sflag:s15], $0x5600  }
0x195: {  	[sflag:s15] =	ssyncset.done $0x0  }
0x196: {  	s17 =	smul.u32 $0x15900, s28;
	s24 =	rddreg [dreg:$0x8];
	[sflag:s15] =	ssyncadd.s32 $0xFFFFAA00  }
0x197: {  	[hbm4b:s24+s2] =	stream.linear.scatter [tilespmem:s12], [sflag:$0x5], $0x5600, $0x38;
	[tilespmem:$0x15C80] =	vst v63  }
0x198: {  	_ =	swait.ge [sflag:s6], $0x5600  }
0x199: {  	s25 =	sshrl.u32 s17, $0x3;
	[sflag:s6] =	ssyncset.done $0x0  }
0x19a: {  	s18 =	sadd.s32 s13, s25;
	[sflag:s6] =	ssyncadd.s32 $0xFFFFAA00  }
0x19b: {  	[tilespmem:s12], [sflag:$0x1] =	stream.linear.gather [hbm4b:s18+s2], $0x5600, $0x38;
	[tilespmem:$0x15C80] =	vst v63  }
0x19c: {  	_ =	swait.ge [sflag:s14], $0x5600  }
0x19d: {  	[sflag:s14] =	ssyncset.done $0x0  }
0x19e: {  	s26 =	rddreg [dreg:$0x9];
	[sflag:s14] =	ssyncadd.s32 $0xFFFFAA00  }
0x19f: {  	[hbm4b:s26+s2] =	stream.linear.scatter [tilespmem:s9], [sflag:$0x6], $0x5600, $0x38;
	[tilespmem:$0x15C80] =	vst v63  }
0x1a0: {  	s28 =	sadd.s32 $0x5600, s17;
	_ =	swait.ge [sflag:s5], $0x5600  }
0x1a1: {  	s18 =	sshrl.u32 s28, $0x3;
	[sflag:s5] =	ssyncset.done $0x0  }
0x1a2: {  	s18 =	sadd.s32 s13, s18;
	[sflag:s5] =	ssyncadd.s32 $0xFFFFAA00  }
0x1a3: {  	[tilespmem:s9], [sflag:$0x2] =	stream.linear.gather [hbm4b:s18+s2], $0x5600, $0x38;
	[tilespmem:$0x15C80] =	vst v63  }
0x1a4: {  	_ =	swait.ge [sflag:s11], $0x5600  }
0x1a5: {  	[sflag:s11] =	ssyncset.done $0x0  }
0x1a6: {  	s29 =	rddreg [dreg:$0xa];
	[sflag:s11] =	ssyncadd.s32 $0xFFFFAA00  }
0x1a7: {  	[hbm4b:s29+s2] =	stream.linear.scatter [tilespmem:s8], [sflag:$0x7], $0x5600, $0x38;
	[tilespmem:$0x15C80] =	vst v63  }
0x1a8: {  	s30 =	sadd.s32 $0xAC00, s17;
	_ =	swait.ge [sflag:s3], $0x5600  }
0x1a9: {  	s18 =	sshrl.u32 s30, $0x3;
	[sflag:s3] =	ssyncset.done $0x0  }
0x1aa: {  	s18 =	sadd.s32 s13, s18;
	[sflag:s3] =	ssyncadd.s32 $0xFFFFAA00  }
0x1ab: {  	[tilespmem:s8], [sflag:$0x3] =	stream.linear.gather [hbm4b:s18+s2], $0x5600, $0x38;
	[tilespmem:$0x15C80] =	vst v63  }
0x1ac: {  	_ =	swait.ge [sflag:s10], $0x5700  }
0x1ad: {  	[sflag:s10] =	ssyncset.done $0x0  }
0x1ae: {  	s31 =	rddreg [dreg:$0xb];
	[sflag:s10] =	ssyncadd.s32 $0xFFFFA900  }
0x1af: {  	[hbm4b:s31+s2] =	stream.linear.scatter [tilespmem:s7], [sflag:$0x8], $0x5700, $0x38;
	[tilespmem:$0x15C80] =	vst v63  }
0x1b0: {  	s17 =	sadd.s32 $0x10200, s17;
	_ =	swait.ge [sflag:s4], $0x5700  }
0x1b1: {  	s17 =	sshrl.u32 s17, $0x3;
	[sflag:s4] =	ssyncset.done $0x0  }
0x1b2: {  	s17 =	sadd.s32 s13, s17;
	[sflag:s4] =	ssyncadd.s32 $0xFFFFA900  }
0x1b3: {  	[tilespmem:s7], [sflag:$0x4] =	stream.linear.gather [hbm4b:s17+s2], $0x5700, $0x38;
	[tilespmem:$0x15C80] =	vst v63  }
0x1b4: {  	_ =	swait.ge [sflag:s15], $0x5600  }
0x1b5: {  	[sflag:s15] =	ssyncset.done $0x0  }
0x1b6: {  	s16 =	smul.u32 $0x15900, s16;
	s19 =	rddreg [dreg:$0xc];
	[sflag:s15] =	ssyncadd.s32 $0xFFFFAA00  }
0x1b7: {  	[hbm4b:s19+s2] =	stream.linear.scatter [tilespmem:s12], [sflag:$0x5], $0x5600, $0x38;
	[tilespmem:$0x15C80] =	vst v63  }
0x1b8: {  	_ =	swait.ge [sflag:s6], $0x5600  }
0x1b9: {  	s20 =	sshrl.u32 s16, $0x3;
	[sflag:s6] =	ssyncset.done $0x0  }
0x1ba: {  	s17 =	sadd.s32 s13, s20;
	[sflag:s6] =	ssyncadd.s32 $0xFFFFAA00  }
0x1bb: {  	[tilespmem:s12], [sflag:$0x1] =	stream.linear.gather [hbm4b:s17+s2], $0x5600, $0x38;
	[tilespmem:$0x15C80] =	vst v63  }
0x1bc: {  	_ =	swait.ge [sflag:s14], $0x5600  }
0x1bd: {  	[sflag:s14] =	ssyncset.done $0x0  }
0x1be: {  	s21 =	rddreg [dreg:$0xd];
	[sflag:s14] =	ssyncadd.s32 $0xFFFFAA00  }
0x1bf: {  	[hbm4b:s21+s2] =	stream.linear.scatter [tilespmem:s9], [sflag:$0x6], $0x5600, $0x38;
	[tilespmem:$0x15C80] =	vst v63  }
0x1c0: {  	s22 =	sadd.s32 $0x5600, s16;
	_ =	swait.ge [sflag:s5], $0x5600  }
0x1c1: {  	s17 =	sshrl.u32 s22, $0x3;
	[sflag:s5] =	ssyncset.done $0x0  }
0x1c2: {  	s17 =	sadd.s32 s13, s17;
	[sflag:s5] =	ssyncadd.s32 $0xFFFFAA00  }
0x1c3: {  	[tilespmem:s9], [sflag:$0x2] =	stream.linear.gather [hbm4b:s17+s2], $0x5600, $0x38;
	[tilespmem:$0x15C80] =	vst v63  }
0x1c4: {  	_ =	swait.ge [sflag:s11], $0x5600  }
0x1c5: {  	[sflag:s11] =	ssyncset.done $0x0  }
0x1c6: {  	s23 =	rddreg [dreg:$0xe];
	[sflag:s11] =	ssyncadd.s32 $0xFFFFAA00  }
0x1c7: {  	[hbm4b:s23+s2] =	stream.linear.scatter [tilespmem:s8], [sflag:$0x7], $0x5600, $0x38;
	[tilespmem:$0x15C80] =	vst v63  }
0x1c8: {  	s24 =	sadd.s32 $0xAC00, s16;
	_ =	swait.ge [sflag:s3], $0x5600  }
0x1c9: {  	s17 =	sshrl.u32 s24, $0x3;
	[sflag:s3] =	ssyncset.done $0x0  }
0x1ca: {  	s17 =	sadd.s32 s13, s17;
	[sflag:s3] =	ssyncadd.s32 $0xFFFFAA00  }
0x1cb: {  	[tilespmem:s8], [sflag:$0x3] =	stream.linear.gather [hbm4b:s17+s2], $0x5600, $0x38;
	[tilespmem:$0x15C80] =	vst v63  }
0x1cc: {  	_ =	swait.ge [sflag:s10], $0x5700  }
0x1cd: {  	[sflag:s10] =	ssyncset.done $0x0  }
0x1ce: {  	s25 =	rddreg [dreg:$0xf];
	[sflag:s10] =	ssyncadd.s32 $0xFFFFA900  }
0x1cf: {  	[hbm4b:s25+s2] =	stream.linear.scatter [tilespmem:s7], [sflag:$0x8], $0x5700, $0x38;
	[tilespmem:$0x15C80] =	vst v63  }
0x1d0: {  	s16 =	sadd.s32 $0x10200, s16;
	_ =	swait.ge [sflag:s4], $0x5700  }
0x1d1: {  	s16 =	sshrl.u32 s16, $0x3;
	[sflag:s4] =	ssyncset.done $0x0  }
0x1d2: {  	s26 =	sadd.s32 s13, s16;
	[sflag:s4] =	ssyncadd.s32 $0xFFFFA900  }
0x1d3: {  	[tilespmem:s7], [sflag:$0x4] =	stream.linear.gather [hbm4b:s26+s2], $0x5700, $0x38;
	[tilespmem:$0x15C80] =	vst v63  }
0x1d4: {  	_ =	swait.ge [sflag:s15], $0x5600  }
0x1d5: {  	[sflag:s15] =	ssyncset.done $0x0  }
0x1d6: {  	s28 =	rddreg [dreg:$0x10];
	[sflag:s15] =	ssyncadd.s32 $0xFFFFAA00  }
0x1d7: {  	[hbm4b:s28+s2] =	stream.linear.scatter [tilespmem:s12], [sflag:$0x5], $0x5600, $0x38;
	[tilespmem:$0x15C80] =	vst v63  }
0x1d8: {  	_ =	swait.ge [sflag:s14], $0x5600  }
0x1d9: {  	[sflag:s14] =	ssyncset.done $0x0  }
0x1da: {  	s29 =	rddreg [dreg:$0x11];
	[sflag:s14] =	ssyncadd.s32 $0xFFFFAA00  }
0x1db: {  	[hbm4b:s29+s2] =	stream.linear.scatter [tilespmem:s9], [sflag:$0x6], $0x5600, $0x38;
	[tilespmem:$0x15C80] =	vst v63  }
0x1dc: {  	_ =	swait.ge [sflag:s11], $0x5600  }
0x1dd: {  	[sflag:s11] =	ssyncset.done $0x0  }
0x1de: {  	s30 =	rddreg [dreg:$0x12];
	[sflag:s11] =	ssyncadd.s32 $0xFFFFAA00  }
0x1df: {  	[hbm4b:s30+s2] =	stream.linear.scatter [tilespmem:s8], [sflag:$0x7], $0x5600, $0x38;
	[tilespmem:$0x15C80] =	vst v63  }
0x1e0: {  	_ =	swait.ge [sflag:s10], $0x5700  }
0x1e1: {  	[sflag:s10] =	ssyncset.done $0x0  }
0x1e2: {  	s31 =	rddreg [dreg:$0x13];
	[sflag:s10] =	ssyncadd.s32 $0xFFFFA900  }
0x1e3: {  	[hbm4b:s31+s2] =	stream.linear.scatter [tilespmem:s7], [sflag:$0x8], $0x5700, $0x38;
	[tilespmem:$0x15C80] =	vst v63  }
0x1e4: {  	_ =	swait.ge [sflag:s6], $0x5600  }
0x1e5: {  	[sflag:s6] =	ssyncset.done $0x0  }
0x1e6: {  	[sflag:s6] =	ssyncadd.s32 $0xFFFFAA00  }
0x1e7: {  	_ =	swait.ge [sflag:s5], $0x5600  }
0x1e8: {  	[sflag:s5] =	ssyncset.done $0x0  }
0x1e9: {  	[sflag:s5] =	ssyncadd.s32 $0xFFFFAA00  }
0x1ea: {  	_ =	swait.ge [sflag:s3], $0x5600  }
0x1eb: {  	[sflag:s3] =	ssyncset.done $0x0  }
0x1ec: {  	[sflag:s3] =	ssyncadd.s32 $0xFFFFAA00  }
0x1ed: {  	_ =	swait.ge [sflag:s4], $0x5700  }
0x1ee: {  	[sflag:s4] =	ssyncset.done $0x0  }
0x1ef: {  	[sflag:s4] =	ssyncadd.s32 $0xFFFFA900  }
0x1f0: {  	_ =	sfence.sel $0x180000  }
0x1f1: {  	[bflag:$0x0] =	sbarrier.arrive $0xFFFF  }
0x1f2: {  	p0 =	sne.s32 s0, $0x0;
	_ =	strace $0x90000047  }
0x1f3: {  	s0 =	sadd.s32 @!p0 $0x100000, s1;
	[bflag:$0x2] =	sbarrier.arrive $0xFFFF  }
0x1f4: {  	[sflag:s0] =	ssyncadd.tile.s32 @!p0 $0x1;
	_ =	shalt  }
.Lfunc_end2:
_tile_overlayer_lowered:
.L_overlay_start_2:
0x1f5: {  	(tag) =	ssettag $0x2  }
0x1f6: {  	s0 =	rddreg [dreg:$0x0];
	s2 =	stileid.u32  }
0x1f7: {  	s1 =	rddreg [dreg:$0x1];
	p0 =	sne.s32 s2, $0x0  }
0x1f8: {  	s3 =	rddreg [dreg:$0x2];
	[bflag:$0x3] =	sbarrier.arrive $0xFFFF;
	s2 =	simm.s32 @!p0 $0x1C09  }
0x1f9: {  	[timem:s3], [sflag:s2] =	dma.local @!p0 [hbm:s0], s1  }
0x1fa: {  	s0 =	simm.s32 @!p0 $0x9  }
0x1fb: {  	_ =	swait.ge @!p0 [sflag:s0], s1  }
0x1fc: {  	s1 =	ssub.s32 @!p0 $0x0, s1;
	[sflag:s0] =	ssyncset.done @!p0 $0x0  }
0x1fd: {  	[sflag:s0] =	ssyncadd.s32 @!p0 s1  }
0x1fe: {  	[bflag:$0x3] =	sbarrier.arrive $0xFFFF  }
0x1ff: {  	_ =	shalt  }

</sc_bundles>
